<compile_context>
chip_gen: v7x
topology: tpu7x:2x2x1
jax: 0.10.2.dev20260603
libtpu: 0.0.44.dev20260713+nightly
codegen_flags: <defaults>
</compile_context>

<pallas_src>
import math

import numpy as np

import jax
import jax.numpy as jnp
from jax import lax
from jax.experimental import pallas as pl
from jax.experimental.pallas import tpu as pltpu
from jax.experimental.pallas import tpu_sc as plsc

BATCH = 16384
HIDDEN = 64
FP_DIM = 167

NC, NS = 2, 16
NW = NC * NS
B_PER_W = BATCH // NW
CHUNK = 128
N_CHUNKS = B_PER_W // CHUNK

PB = 8192
BB = 2048

V_C = 1000000
V_E = 100000
NB_C = math.ceil(V_C / PB / 2)
NB_E = math.ceil(V_E / PB / 2)
OFF_C = NB_C * PB
OFF_E = NB_E * PB
HIMASK = np.uint32(0xFFFF0000)


def _pack16(a_ref, b_ref):
    at = jnp.transpose(a_ref[...].astype(jnp.bfloat16), (1, 0))
    bt = jnp.transpose(b_ref[...].astype(jnp.bfloat16), (1, 0))
    au = jax.lax.bitcast_convert_type(at, jnp.uint16).astype(jnp.uint32)
    bu = jax.lax.bitcast_convert_type(bt, jnp.uint16).astype(jnp.uint32)
    return (au << 16) | bu


def _prep_body(a1_ref, a2_ref, b1_ref, b2_ref, out_ref):
    p1 = _pack16(a1_ref, b1_ref)
    p2 = _pack16(a2_ref, b2_ref)
    out_ref[...] = jax.lax.bitcast_convert_type(
        jnp.concatenate([p1, p2], axis=1), jnp.float32)


def _prep_pair(ta, tb, n_blocks):
    taT = ta.T
    tbT = tb.T
    last = (ta.shape[0] - 1) // PB

    def second(i, n=n_blocks, last=last):
        return (0, jnp.minimum(i + n, last))

    return pl.pallas_call(
        _prep_body,
        grid=(n_blocks,),
        compiler_params=pltpu.CompilerParams(
            dimension_semantics=("parallel",)),
        in_specs=[
            pl.BlockSpec((HIDDEN, PB), lambda i: (0, i)),
            pl.BlockSpec((HIDDEN, PB), second),
            pl.BlockSpec((HIDDEN, PB), lambda i: (0, i)),
            pl.BlockSpec((HIDDEN, PB), second),
        ],
        out_specs=pl.BlockSpec((PB, 2 * HIDDEN), lambda i: (i, 0)),
        out_shape=jax.ShapeDtypeStruct((n_blocks * PB, 2 * HIDDEN),
                                       jnp.float32),
    )(taT, taT, tbT, tbT)


def _gather_body(cid_hbm, eid_hbm, comb_c_hbm, comb_e_hbm,
                 out_c, out_e, idx_c, idx_e, rows_a, rows_b, sem_a, sem_b):
    wid = lax.axis_index("s") * NC + lax.axis_index("c")
    base = wid * B_PER_W
    for chunk in range(N_CHUNKS):
        off = base + chunk * CHUNK
        pltpu.sync_copy(cid_hbm.at[pl.ds(off, CHUNK)], idx_c)
        pltpu.sync_copy(eid_hbm.at[pl.ds(off, CHUNK)], idx_e)
        cp_a = pltpu.async_copy(comb_c_hbm.at[idx_c], rows_a, sem_a)
        cp_b = pltpu.async_copy(comb_e_hbm.at[idx_e], rows_b, sem_b)
        cp_a.wait()
        pltpu.sync_copy(rows_a, out_c.at[pl.ds(off, CHUNK)])
        cp_b.wait()
        pltpu.sync_copy(rows_b, out_e.at[pl.ds(off, CHUNK)])


def _sc_gather(compound_ids, enzyme_ids, comb_c, comb_e):
    mesh = plsc.VectorSubcoreMesh(core_axis_name="c", subcore_axis_name="s")
    out = jax.ShapeDtypeStruct((BATCH, 2 * HIDDEN), jnp.float32)
    fn = pl.kernel(
        _gather_body,
        out_type=(out, out),
        mesh=mesh,
        scratch_types=[
            pltpu.VMEM((CHUNK,), jnp.int32),
            pltpu.VMEM((CHUNK,), jnp.int32),
            pltpu.VMEM((CHUNK, 2 * HIDDEN), jnp.float32),
            pltpu.VMEM((CHUNK, 2 * HIDDEN), jnp.float32),
            pltpu.SemaphoreType.DMA,
            pltpu.SemaphoreType.DMA,
        ],
    )
    return fn(compound_ids, enzyme_ids, comb_c, comb_e)


def _aug_body(augf_ref, w1_ref, b1_ref, w2_ref, b2_ref, out_ref):
    h = jnp.maximum(
        jnp.dot(augf_ref[...], w1_ref[...],
                preferred_element_type=jnp.float32) + b1_ref[...], 0.0)
    out_ref[...] = (
        jnp.dot(h, w2_ref[...], preferred_element_type=jnp.float32)
        + b2_ref[...])


def _aug_mlp(aug_f, aug_W1, aug_b1, aug_W2, aug_b2):
    b1 = aug_b1.reshape(1, HIDDEN)
    b2 = aug_b2.reshape(1, HIDDEN)
    grid = (BATCH // BB,)
    full = lambda shape: pl.BlockSpec(shape, lambda i: (0, 0))
    return pl.pallas_call(
        _aug_body,
        grid=grid,
        compiler_params=pltpu.CompilerParams(
            dimension_semantics=("parallel",)),
        in_specs=[
            pl.BlockSpec((BB, FP_DIM), lambda i: (i, 0)),
            full((FP_DIM, HIDDEN)), full((1, HIDDEN)),
            full((HIDDEN, HIDDEN)), full((1, HIDDEN)),
        ],
        out_specs=pl.BlockSpec((BB, HIDDEN), lambda i: (i, 0)),
        out_shape=jax.ShapeDtypeStruct((BATCH, HIDDEN), jnp.float32),
    )(aug_f, aug_W1, b1, aug_W2, b2)


def _unpack_half(rows_ref, ids_ref, off):
    idcol = jnp.transpose(ids_ref[...].reshape(1, BB), (1, 0))
    half = idcol >= off
    ru = jax.lax.bitcast_convert_type(rows_ref[...], jnp.uint32)
    sel = jnp.where(half, ru[:, HIDDEN:], ru[:, :HIDDEN])
    hi = jax.lax.bitcast_convert_type(sel & HIMASK, jnp.float32)
    lo = jax.lax.bitcast_convert_type(sel << 16, jnp.float32)
    return hi, lo


def _fuse_body(rc_ref, re_ref, cid_ref, eid_ref, aug_ref,
               fA_ref, fB_ref, fb_ref, wmf_ref, wmlp_ref, waug_ref, cb_ref,
               out_ref):
    mfc, mlpc = _unpack_half(rc_ref, cid_ref, OFF_C)
    mfe, mlpe = _unpack_half(re_ref, eid_ref, OFF_E)
    mf = mfe * mfc
    mlp = jnp.maximum(
        jnp.dot(mlpe, fA_ref[...], preferred_element_type=jnp.float32)
        + jnp.dot(mlpc, fB_ref[...], preferred_element_type=jnp.float32)
        + fb_ref[...], 0.0)
    logits = (jnp.dot(mf, wmf_ref[...], preferred_element_type=jnp.float32)
              + jnp.dot(mlp, wmlp_ref[...], preferred_element_type=jnp.float32)
              + jnp.dot(aug_ref[...], waug_ref[...],
                        preferred_element_type=jnp.float32)
              + cb_ref[0, 0])
    out_ref[...] = jax.nn.sigmoid(logits)


def _tc_fuse(rows_c, rows_e, compound_ids, enzyme_ids, aug,
             fc1_W, fc1_b, ce_W, ce_b):
    fA = fc1_W[:HIDDEN, :]
    fB = fc1_W[HIDDEN:, :]
    wmf = ce_W[0:HIDDEN, :]
    wmlp = ce_W[HIDDEN:2 * HIDDEN, :]
    waug = ce_W[2 * HIDDEN:, :]
    fb = fc1_b.reshape(1, HIDDEN)
    cb = ce_b.reshape(1, 1)
    cid3 = compound_ids.reshape(BATCH // BB, 1, BB)
    eid3 = enzyme_ids.reshape(BATCH // BB, 1, BB)

    grid = (BATCH // BB,)
    full = lambda shape: pl.BlockSpec(shape, lambda i: (0, 0))
    return pl.pallas_call(
        _fuse_body,
        grid=grid,
        compiler_params=pltpu.CompilerParams(
            dimension_semantics=("parallel",)),
        in_specs=[
            pl.BlockSpec((BB, 2 * HIDDEN), lambda i: (i, 0)),
            pl.BlockSpec((BB, 2 * HIDDEN), lambda i: (i, 0)),
            pl.BlockSpec((1, 1, BB), lambda i: (i, 0, 0)),
            pl.BlockSpec((1, 1, BB), lambda i: (i, 0, 0)),
            pl.BlockSpec((BB, HIDDEN), lambda i: (i, 0)),
            full((HIDDEN, HIDDEN)), full((HIDDEN, HIDDEN)), full((1, HIDDEN)),
            full((HIDDEN, 1)), full((HIDDEN, 1)), full((HIDDEN, 1)),
            full((1, 1)),
        ],
        out_specs=pl.BlockSpec((BB, 1), lambda i: (i, 0)),
        out_shape=jax.ShapeDtypeStruct((BATCH, 1), jnp.float32),
    )(rows_c, rows_e, cid3, eid3, aug, fA, fB, fb, wmf, wmlp, waug, cb)


def kernel(compound_ids, enzyme_ids, aug_f, aug_W1, aug_b1, aug_W2, aug_b2,
           mf_c_table, mf_e_table, mlp_c_table, mlp_e_table,
           fc1_W, fc1_b, ce_W, ce_b):
    comb_c = _prep_pair(mf_c_table, mlp_c_table, NB_C)
    comb_e = _prep_pair(mf_e_table, mlp_e_table, NB_E)
    cid_w = jnp.where(compound_ids >= OFF_C, compound_ids - OFF_C,
                      compound_ids)
    eid_w = jnp.where(enzyme_ids >= OFF_E, enzyme_ids - OFF_E, enzyme_ids)
    rows_c, rows_e = _sc_gather(cid_w, eid_w, comb_c, comb_e)
    aug = _aug_mlp(aug_f, aug_W1, aug_b1, aug_W2, aug_b2)
    return _tc_fuse(rows_c, rows_e, compound_ids, enzyme_ids, aug,
                    fc1_W, fc1_b, ce_W, ce_b)

# --- scband reference (transcript-rebuilt; emitter-appended) ---
"""Pipeline reference for scband-recommender-gnn-30631706755919 (READ-ONLY COPY).

The authoritative reference and input builder live on the scoring server;
editing this copy changes nothing except your own understanding.
"""

import jax, jax.numpy as jnp
import numpy as np

NUM_COMPOUND = 1000000
NUM_ENZYME = 100000
HIDDEN = 64
FP_DIM = 167
BATCH = 16384


def setup_inputs(seed: int = 0) -> dict:
    key = jax.random.key(seed)
    ks = jax.random.split(key, 16)
    compound_ids = jax.random.randint(ks[0], (BATCH,), 0, NUM_COMPOUND, dtype=jnp.int32)
    enzyme_ids = jax.random.randint(ks[1], (BATCH,), 0, NUM_ENZYME, dtype=jnp.int32)
    aug_f = jax.random.normal(ks[2], (BATCH, FP_DIM), dtype=jnp.float32)
    s = 0.05
    aug_W1 = jax.random.normal(ks[3], (FP_DIM, HIDDEN), dtype=jnp.float32) * s
    aug_b1 = jnp.zeros((HIDDEN,), dtype=jnp.float32)
    aug_W2 = jax.random.normal(ks[4], (HIDDEN, HIDDEN), dtype=jnp.float32) * s
    aug_b2 = jnp.zeros((HIDDEN,), dtype=jnp.float32)
    mf_c_table = jax.random.normal(ks[5], (NUM_COMPOUND, HIDDEN), dtype=jnp.float32) * s
    mf_e_table = jax.random.normal(ks[6], (NUM_ENZYME, HIDDEN), dtype=jnp.float32) * s
    mlp_c_table = jax.random.normal(ks[7], (NUM_COMPOUND, HIDDEN), dtype=jnp.float32) * s
    mlp_e_table = jax.random.normal(ks[8], (NUM_ENZYME, HIDDEN), dtype=jnp.float32) * s
    fc1_W = jax.random.normal(ks[9], (2 * HIDDEN, HIDDEN), dtype=jnp.float32) * s
    fc1_b = jnp.zeros((HIDDEN,), dtype=jnp.float32)
    ce_W = jax.random.normal(ks[10], (3 * HIDDEN, 1), dtype=jnp.float32) * s
    ce_b = jnp.zeros((1,), dtype=jnp.float32)
    return {
        'compound_ids': compound_ids,
        'enzyme_ids': enzyme_ids,
        'aug_f': aug_f,
        'aug_W1': aug_W1, 'aug_b1': aug_b1, 'aug_W2': aug_W2, 'aug_b2': aug_b2,
        'mf_c_table': mf_c_table, 'mf_e_table': mf_e_table,
        'mlp_c_table': mlp_c_table, 'mlp_e_table': mlp_e_table,
        'fc1_W': fc1_W, 'fc1_b': fc1_b, 'ce_W': ce_W, 'ce_b': ce_b,
    }


def reference(compound_ids, enzyme_ids, aug_f, aug_W1, aug_b1, aug_W2, aug_b2,
              mf_c_table, mf_e_table, mlp_c_table, mlp_e_table,
              fc1_W, fc1_b, ce_W, ce_b):
    # AUG_Embedding MLP (dropout is identity at inference)
    h = jax.nn.relu(aug_f @ aug_W1 + aug_b1)
    aug_embedding = h @ aug_W2 + aug_b2
    # MF branch: embedding lookups + elementwise product
    mf_c = jnp.take(mf_c_table, compound_ids, axis=0)
    mf_e = jnp.take(mf_e_table, enzyme_ids, axis=0)
    mf_vector = mf_e * mf_c
    # MLP branch: embedding lookups + concat + fc1
    mlp_c = jnp.take(mlp_c_table, compound_ids, axis=0)
    mlp_e = jnp.take(mlp_e_table, enzyme_ids, axis=0)
    mlp_vector = jnp.concatenate([mlp_e, mlp_c], axis=-1)
    mlp_vector = jax.nn.relu(mlp_vector @ fc1_W + fc1_b)
    predict_vector = jnp.concatenate([mf_vector, mlp_vector, aug_embedding], axis=-1)
    out = jax.nn.sigmoid(predict_vector @ ce_W + ce_b)
    return out

if __name__ == "__main__":
    import jax
    _d = setup_inputs()
    print(jax.jit(kernel)(*tuple(_d.values())))

</pallas_src>

<mosaic_0001>
#map = affine_map<(d0, d1) -> (0)>
#map1 = affine_map<(d0, d1) -> (0, 0)>
module attributes {stable_mosaic.version = 14 : i64} {
  func.func @_gather_body(%arg0: i32, %arg1: i32, %arg2: memref<16384xi32, #tpu.memory_space<hbm>>, %arg3: memref<16384xi32, #tpu.memory_space<hbm>>, %arg4: memref<507904x128xf32, #tpu.memory_space<hbm>>, %arg5: memref<57344x128xf32, #tpu.memory_space<hbm>>, %arg6: memref<16384x128xf32, #tpu.memory_space<hbm>>, %arg7: memref<16384x128xf32, #tpu.memory_space<hbm>>, %arg8: memref<128xi32, #tpu.memory_space<vmem>>, %arg9: memref<128xi32, #tpu.memory_space<vmem>>, %arg10: memref<128x128xf32, #tpu.memory_space<vmem>>, %arg11: memref<128x128xf32, #tpu.memory_space<vmem>>, %arg12: memref<!tpu.dma_semaphore, #tpu.memory_space<semaphore_mem>>, %arg13: memref<!tpu.dma_semaphore, #tpu.memory_space<semaphore_mem>>) attributes {dimension_semantics = [#tpu.dimension_semantics<core_parallel>, #tpu.dimension_semantics<subcore_parallel>], iteration_bounds = array<i64: 2, 16>, scalar_prefetch = 0 : i64, scratch_operands = 6 : i64, tpu.core_type = #tpu.core_type<sc_vector_subcore>, window_params = [{transform_indices = #map}, {transform_indices = #map}, {transform_indices = #map1}, {transform_indices = #map1}, {transform_indices = #map1}, {transform_indices = #map1}]} {
    %mul3A = arith.constant 2 : i32
    %mul3A_0 = arith.muli %arg1, %mul3A : i32
    %add3A = arith.addi %mul3A_0, %arg0 : i32
    %mul3A_1 = arith.constant 512 : i32
    %mul3A_2 = arith.muli %add3A, %mul3A_1 : i32
    %add3A_3 = arith.constant 0 : i32
    %add3A_4 = arith.addi %mul3A_2, %add3A_3 : i32
    "tpu.region"() ({
      %run_scoped3A = tpu.sem_alloc : memref<!tpu.dma_semaphore, #tpu.memory_space<semaphore_mem>>
      %dma_start3A_57 = tpu.memref_slice %arg2[%add3A_4] : memref<16384xi32, #tpu.memory_space<hbm>> -> memref<128xi32, #tpu.memory_space<hbm>>
      %dma_start3A_58 = tpu.memref_slice %arg2[%add3A_4] : memref<16384xi32, #tpu.memory_space<hbm>> -> memref<128xi32, #tpu.memory_space<hbm>>
      tpu.enqueue_dma source(%dma_start3A_58 : memref<128xi32, #tpu.memory_space<hbm>>) target(%arg8 : memref<128xi32, #tpu.memory_space<vmem>>) target_semaphore(%run_scoped3A : memref<!tpu.dma_semaphore, #tpu.memory_space<semaphore_mem>>)
      %dma_wait3A_59 = tpu.memref_slice %arg2[%add3A_4] : memref<16384xi32, #tpu.memory_space<hbm>> -> memref<128xi32, #tpu.memory_space<hbm>>
      %dma_wait3A_60 = tpu.memref_slice %arg2[%add3A_4] : memref<16384xi32, #tpu.memory_space<hbm>> -> memref<128xi32, #tpu.memory_space<hbm>>
      tpu.wait_dma2 semaphore(%run_scoped3A : memref<!tpu.dma_semaphore, #tpu.memory_space<semaphore_mem>>) src(%dma_wait3A_60 : memref<128xi32, #tpu.memory_space<hbm>>) dst(%arg8 : memref<128xi32, #tpu.memory_space<vmem>>)
      tpu.yield
    }) : () -> ()
    "tpu.region"() ({
      %run_scoped3A = tpu.sem_alloc : memref<!tpu.dma_semaphore, #tpu.memory_space<semaphore_mem>>
      %dma_start3A_57 = tpu.memref_slice %arg3[%add3A_4] : memref<16384xi32, #tpu.memory_space<hbm>> -> memref<128xi32, #tpu.memory_space<hbm>>
      %dma_start3A_58 = tpu.memref_slice %arg3[%add3A_4] : memref<16384xi32, #tpu.memory_space<hbm>> -> memref<128xi32, #tpu.memory_space<hbm>>
      tpu.enqueue_dma source(%dma_start3A_58 : memref<128xi32, #tpu.memory_space<hbm>>) target(%arg9 : memref<128xi32, #tpu.memory_space<vmem>>) target_semaphore(%run_scoped3A : memref<!tpu.dma_semaphore, #tpu.memory_space<semaphore_mem>>)
      %dma_wait3A_59 = tpu.memref_slice %arg3[%add3A_4] : memref<16384xi32, #tpu.memory_space<hbm>> -> memref<128xi32, #tpu.memory_space<hbm>>
      %dma_wait3A_60 = tpu.memref_slice %arg3[%add3A_4] : memref<16384xi32, #tpu.memory_space<hbm>> -> memref<128xi32, #tpu.memory_space<hbm>>
      tpu.wait_dma2 semaphore(%run_scoped3A : memref<!tpu.dma_semaphore, #tpu.memory_space<semaphore_mem>>) src(%dma_wait3A_60 : memref<128xi32, #tpu.memory_space<hbm>>) dst(%arg9 : memref<128xi32, #tpu.memory_space<vmem>>)
      tpu.yield
    }) : () -> ()
    %dma_start3A = arith.constant 0 : i32
    %dma_start3A_5 = arith.constant 0 : i32
    %dma_start3A_6 = tpu.memref_slice %arg4[%dma_start3A, %dma_start3A_5] : memref<507904x128xf32, #tpu.memory_space<hbm>> -> memref<507904x128xf32, #tpu.memory_space<hbm>>
    tpu.enqueue_indirect_dma source(%dma_start3A_6 : memref<507904x128xf32, #tpu.memory_space<hbm>>) target(%arg10 : memref<128x128xf32, #tpu.memory_space<vmem>>) offsets(%arg8 : memref<128xi32, #tpu.memory_space<vmem>>) semaphore(%arg12 : memref<!tpu.dma_semaphore, #tpu.memory_space<semaphore_mem>>)
    %dma_start3A_7 = arith.constant 0 : i32
    %dma_start3A_8 = arith.constant 0 : i32
    %dma_start3A_9 = tpu.memref_slice %arg5[%dma_start3A_7, %dma_start3A_8] : memref<57344x128xf32, #tpu.memory_space<hbm>> -> memref<57344x128xf32, #tpu.memory_space<hbm>>
    tpu.enqueue_indirect_dma source(%dma_start3A_9 : memref<57344x128xf32, #tpu.memory_space<hbm>>) target(%arg11 : memref<128x128xf32, #tpu.memory_space<vmem>>) offsets(%arg9 : memref<128xi32, #tpu.memory_space<vmem>>) semaphore(%arg13 : memref<!tpu.dma_semaphore, #tpu.memory_space<semaphore_mem>>)
    %dma_wait3A = arith.constant 0 : i32
    %dma_wait3A_10 = arith.constant 0 : i32
    %dma_wait3A_11 = tpu.memref_slice %arg4[%dma_wait3A, %dma_wait3A_10] : memref<507904x128xf32, #tpu.memory_space<hbm>> -> memref<507904x128xf32, #tpu.memory_space<hbm>>
    tpu.wait_indirect_dma semaphore(%arg12 : memref<!tpu.dma_semaphore, #tpu.memory_space<semaphore_mem>>) src(%dma_wait3A_11 : memref<507904x128xf32, #tpu.memory_space<hbm>>) dst(%arg10 : memref<128x128xf32, #tpu.memory_space<vmem>>)
    "tpu.region"() ({
      %run_scoped3A = tpu.sem_alloc : memref<!tpu.dma_semaphore, #tpu.memory_space<semaphore_mem>>
      %dma_start3A_57 = arith.constant 0 : i32
      %dma_start3A_58 = tpu.memref_slice %arg6[%add3A_4, %dma_start3A_57] : memref<16384x128xf32, #tpu.memory_space<hbm>> -> memref<128x128xf32, #tpu.memory_space<hbm>>
      %dma_start3A_59 = arith.constant 0 : i32
      %dma_start3A_60 = tpu.memref_slice %arg6[%add3A_4, %dma_start3A_59] : memref<16384x128xf32, #tpu.memory_space<hbm>> -> memref<128x128xf32, #tpu.memory_space<hbm>>
      tpu.enqueue_dma source(%arg10 : memref<128x128xf32, #tpu.memory_space<vmem>>) target(%dma_start3A_60 : memref<128x128xf32, #tpu.memory_space<hbm>>) target_semaphore(%run_scoped3A : memref<!tpu.dma_semaphore, #tpu.memory_space<semaphore_mem>>)
      %dma_wait3A_61 = arith.constant 0 : i32
      %dma_wait3A_62 = tpu.memref_slice %arg6[%add3A_4, %dma_wait3A_61] : memref<16384x128xf32, #tpu.memory_space<hbm>> -> memref<128x128xf32, #tpu.memory_space<hbm>>
      %dma_wait3A_63 = arith.constant 0 : i32
      %dma_wait3A_64 = tpu.memref_slice %arg6[%add3A_4, %dma_wait3A_63] : memref<16384x128xf32, #tpu.memory_space<hbm>> -> memref<128x128xf32, #tpu.memory_space<hbm>>
      tpu.wait_dma2 semaphore(%run_scoped3A : memref<!tpu.dma_semaphore, #tpu.memory_space<semaphore_mem>>) src(%arg10 : memref<128x128xf32, #tpu.memory_space<vmem>>) dst(%dma_wait3A_64 : memref<128x128xf32, #tpu.memory_space<hbm>>)
      tpu.yield
    }) : () -> ()
    %dma_wait3A_12 = arith.constant 0 : i32
    %dma_wait3A_13 = arith.constant 0 : i32
    %dma_wait3A_14 = tpu.memref_slice %arg5[%dma_wait3A_12, %dma_wait3A_13] : memref<57344x128xf32, #tpu.memory_space<hbm>> -> memref<57344x128xf32, #tpu.memory_space<hbm>>
    tpu.wait_indirect_dma semaphore(%arg13 : memref<!tpu.dma_semaphore, #tpu.memory_space<semaphore_mem>>) src(%dma_wait3A_14 : memref<57344x128xf32, #tpu.memory_space<hbm>>) dst(%arg11 : memref<128x128xf32, #tpu.memory_space<vmem>>)
    "tpu.region"() ({
      %run_scoped3A = tpu.sem_alloc : memref<!tpu.dma_semaphore, #tpu.memory_space<semaphore_mem>>
      %dma_start3A_57 = arith.constant 0 : i32
      %dma_start3A_58 = tpu.memref_slice %arg7[%add3A_4, %dma_start3A_57] : memref<16384x128xf32, #tpu.memory_space<hbm>> -> memref<128x128xf32, #tpu.memory_space<hbm>>
      %dma_start3A_59 = arith.constant 0 : i32
      %dma_start3A_60 = tpu.memref_slice %arg7[%add3A_4, %dma_start3A_59] : memref<16384x128xf32, #tpu.memory_space<hbm>> -> memref<128x128xf32, #tpu.memory_space<hbm>>
      tpu.enqueue_dma source(%arg11 : memref<128x128xf32, #tpu.memory_space<vmem>>) target(%dma_start3A_60 : memref<128x128xf32, #tpu.memory_space<hbm>>) target_semaphore(%run_scoped3A : memref<!tpu.dma_semaphore, #tpu.memory_space<semaphore_mem>>)
      %dma_wait3A_61 = arith.constant 0 : i32
      %dma_wait3A_62 = tpu.memref_slice %arg7[%add3A_4, %dma_wait3A_61] : memref<16384x128xf32, #tpu.memory_space<hbm>> -> memref<128x128xf32, #tpu.memory_space<hbm>>
      %dma_wait3A_63 = arith.constant 0 : i32
      %dma_wait3A_64 = tpu.memref_slice %arg7[%add3A_4, %dma_wait3A_63] : memref<16384x128xf32, #tpu.memory_space<hbm>> -> memref<128x128xf32, #tpu.memory_space<hbm>>
      tpu.wait_dma2 semaphore(%run_scoped3A : memref<!tpu.dma_semaphore, #tpu.memory_space<semaphore_mem>>) src(%arg11 : memref<128x128xf32, #tpu.memory_space<vmem>>) dst(%dma_wait3A_64 : memref<128x128xf32, #tpu.memory_space<hbm>>)
      tpu.yield
    }) : () -> ()
    %add3A_15 = arith.constant 128 : i32
    %add3A_16 = arith.addi %mul3A_2, %add3A_15 : i32
    "tpu.region"() ({
      %run_scoped3A = tpu.sem_alloc : memref<!tpu.dma_semaphore, #tpu.memory_space<semaphore_mem>>
      %dma_start3A_57 = tpu.memref_slice %arg2[%add3A_16] : memref<16384xi32, #tpu.memory_space<hbm>> -> memref<128xi32, #tpu.memory_space<hbm>>
      %dma_start3A_58 = tpu.memref_slice %arg2[%add3A_16] : memref<16384xi32, #tpu.memory_space<hbm>> -> memref<128xi32, #tpu.memory_space<hbm>>
      tpu.enqueue_dma source(%dma_start3A_58 : memref<128xi32, #tpu.memory_space<hbm>>) target(%arg8 : memref<128xi32, #tpu.memory_space<vmem>>) target_semaphore(%run_scoped3A : memref<!tpu.dma_semaphore, #tpu.memory_space<semaphore_mem>>)
      %dma_wait3A_59 = tpu.memref_slice %arg2[%add3A_16] : memref<16384xi32, #tpu.memory_space<hbm>> -> memref<128xi32, #tpu.memory_space<hbm>>
      %dma_wait3A_60 = tpu.memref_slice %arg2[%add3A_16] : memref<16384xi32, #tpu.memory_space<hbm>> -> memref<128xi32, #tpu.memory_space<hbm>>
      tpu.wait_dma2 semaphore(%run_scoped3A : memref<!tpu.dma_semaphore, #tpu.memory_space<semaphore_mem>>) src(%dma_wait3A_60 : memref<128xi32, #tpu.memory_space<hbm>>) dst(%arg8 : memref<128xi32, #tpu.memory_space<vmem>>)
      tpu.yield
    }) : () -> ()
    "tpu.region"() ({
      %run_scoped3A = tpu.sem_alloc : memref<!tpu.dma_semaphore, #tpu.memory_space<semaphore_mem>>
      %dma_start3A_57 = tpu.memref_slice %arg3[%add3A_16] : memref<16384xi32, #tpu.memory_space<hbm>> -> memref<128xi32, #tpu.memory_space<hbm>>
      %dma_start3A_58 = tpu.memref_slice %arg3[%add3A_16] : memref<16384xi32, #tpu.memory_space<hbm>> -> memref<128xi32, #tpu.memory_space<hbm>>
      tpu.enqueue_dma source(%dma_start3A_58 : memref<128xi32, #tpu.memory_space<hbm>>) target(%arg9 : memref<128xi32, #tpu.memory_space<vmem>>) target_semaphore(%run_scoped3A : memref<!tpu.dma_semaphore, #tpu.memory_space<semaphore_mem>>)
      %dma_wait3A_59 = tpu.memref_slice %arg3[%add3A_16] : memref<16384xi32, #tpu.memory_space<hbm>> -> memref<128xi32, #tpu.memory_space<hbm>>
      %dma_wait3A_60 = tpu.memref_slice %arg3[%add3A_16] : memref<16384xi32, #tpu.memory_space<hbm>> -> memref<128xi32, #tpu.memory_space<hbm>>
      tpu.wait_dma2 semaphore(%run_scoped3A : memref<!tpu.dma_semaphore, #tpu.memory_space<semaphore_mem>>) src(%dma_wait3A_60 : memref<128xi32, #tpu.memory_space<hbm>>) dst(%arg9 : memref<128xi32, #tpu.memory_space<vmem>>)
      tpu.yield
    }) : () -> ()
    %dma_start3A_17 = arith.constant 0 : i32
    %dma_start3A_18 = arith.constant 0 : i32
    %dma_start3A_19 = tpu.memref_slice %arg4[%dma_start3A_17, %dma_start3A_18] : memref<507904x128xf32, #tpu.memory_space<hbm>> -> memref<507904x128xf32, #tpu.memory_space<hbm>>
    tpu.enqueue_indirect_dma source(%dma_start3A_19 : memref<507904x128xf32, #tpu.memory_space<hbm>>) target(%arg10 : memref<128x128xf32, #tpu.memory_space<vmem>>) offsets(%arg8 : memref<128xi32, #tpu.memory_space<vmem>>) semaphore(%arg12 : memref<!tpu.dma_semaphore, #tpu.memory_space<semaphore_mem>>)
    %dma_start3A_20 = arith.constant 0 : i32
    %dma_start3A_21 = arith.constant 0 : i32
    %dma_start3A_22 = tpu.memref_slice %arg5[%dma_start3A_20, %dma_start3A_21] : memref<57344x128xf32, #tpu.memory_space<hbm>> -> memref<57344x128xf32, #tpu.memory_space<hbm>>
    tpu.enqueue_indirect_dma source(%dma_start3A_22 : memref<57344x128xf32, #tpu.memory_space<hbm>>) target(%arg11 : memref<128x128xf32, #tpu.memory_space<vmem>>) offsets(%arg9 : memref<128xi32, #tpu.memory_space<vmem>>) semaphore(%arg13 : memref<!tpu.dma_semaphore, #tpu.memory_space<semaphore_mem>>)
    %dma_wait3A_23 = arith.constant 0 : i32
    %dma_wait3A_24 = arith.constant 0 : i32
    %dma_wait3A_25 = tpu.memref_slice %arg4[%dma_wait3A_23, %dma_wait3A_24] : memref<507904x128xf32, #tpu.memory_space<hbm>> -> memref<507904x128xf32, #tpu.memory_space<hbm>>
    tpu.wait_indirect_dma semaphore(%arg12 : memref<!tpu.dma_semaphore, #tpu.memory_space<semaphore_mem>>) src(%dma_wait3A_25 : memref<507904x128xf32, #tpu.memory_space<hbm>>) dst(%arg10 : memref<128x128xf32, #tpu.memory_space<vmem>>)
    "tpu.region"() ({
      %run_scoped3A = tpu.sem_alloc : memref<!tpu.dma_semaphore, #tpu.memory_space<semaphore_mem>>
      %dma_start3A_57 = arith.constant 0 : i32
      %dma_start3A_58 = tpu.memref_slice %arg6[%add3A_16, %dma_start3A_57] : memref<16384x128xf32, #tpu.memory_space<hbm>> -> memref<128x128xf32, #tpu.memory_space<hbm>>
      %dma_start3A_59 = arith.constant 0 : i32
      %dma_start3A_60 = tpu.memref_slice %arg6[%add3A_16, %dma_start3A_59] : memref<16384x128xf32, #tpu.memory_space<hbm>> -> memref<128x128xf32, #tpu.memory_space<hbm>>
      tpu.enqueue_dma source(%arg10 : memref<128x128xf32, #tpu.memory_space<vmem>>) target(%dma_start3A_60 : memref<128x128xf32, #tpu.memory_space<hbm>>) target_semaphore(%run_scoped3A : memref<!tpu.dma_semaphore, #tpu.memory_space<semaphore_mem>>)
      %dma_wait3A_61 = arith.constant 0 : i32
      %dma_wait3A_62 = tpu.memref_slice %arg6[%add3A_16, %dma_wait3A_61] : memref<16384x128xf32, #tpu.memory_space<hbm>> -> memref<128x128xf32, #tpu.memory_space<hbm>>
      %dma_wait3A_63 = arith.constant 0 : i32
      %dma_wait3A_64 = tpu.memref_slice %arg6[%add3A_16, %dma_wait3A_63] : memref<16384x128xf32, #tpu.memory_space<hbm>> -> memref<128x128xf32, #tpu.memory_space<hbm>>
      tpu.wait_dma2 semaphore(%run_scoped3A : memref<!tpu.dma_semaphore, #tpu.memory_space<semaphore_mem>>) src(%arg10 : memref<128x128xf32, #tpu.memory_space<vmem>>) dst(%dma_wait3A_64 : memref<128x128xf32, #tpu.memory_space<hbm>>)
      tpu.yield
    }) : () -> ()
    %dma_wait3A_26 = arith.constant 0 : i32
    %dma_wait3A_27 = arith.constant 0 : i32
    %dma_wait3A_28 = tpu.memref_slice %arg5[%dma_wait3A_26, %dma_wait3A_27] : memref<57344x128xf32, #tpu.memory_space<hbm>> -> memref<57344x128xf32, #tpu.memory_space<hbm>>
    tpu.wait_indirect_dma semaphore(%arg13 : memref<!tpu.dma_semaphore, #tpu.memory_space<semaphore_mem>>) src(%dma_wait3A_28 : memref<57344x128xf32, #tpu.memory_space<hbm>>) dst(%arg11 : memref<128x128xf32, #tpu.memory_space<vmem>>)
    "tpu.region"() ({
      %run_scoped3A = tpu.sem_alloc : memref<!tpu.dma_semaphore, #tpu.memory_space<semaphore_mem>>
      %dma_start3A_57 = arith.constant 0 : i32
      %dma_start3A_58 = tpu.memref_slice %arg7[%add3A_16, %dma_start3A_57] : memref<16384x128xf32, #tpu.memory_space<hbm>> -> memref<128x128xf32, #tpu.memory_space<hbm>>
      %dma_start3A_59 = arith.constant 0 : i32
      %dma_start3A_60 = tpu.memref_slice %arg7[%add3A_16, %dma_start3A_59] : memref<16384x128xf32, #tpu.memory_space<hbm>> -> memref<128x128xf32, #tpu.memory_space<hbm>>
      tpu.enqueue_dma source(%arg11 : memref<128x128xf32, #tpu.memory_space<vmem>>) target(%dma_start3A_60 : memref<128x128xf32, #tpu.memory_space<hbm>>) target_semaphore(%run_scoped3A : memref<!tpu.dma_semaphore, #tpu.memory_space<semaphore_mem>>)
      %dma_wait3A_61 = arith.constant 0 : i32
      %dma_wait3A_62 = tpu.memref_slice %arg7[%add3A_16, %dma_wait3A_61] : memref<16384x128xf32, #tpu.memory_space<hbm>> -> memref<128x128xf32, #tpu.memory_space<hbm>>
      %dma_wait3A_63 = arith.constant 0 : i32
      %dma_wait3A_64 = tpu.memref_slice %arg7[%add3A_16, %dma_wait3A_63] : memref<16384x128xf32, #tpu.memory_space<hbm>> -> memref<128x128xf32, #tpu.memory_space<hbm>>
      tpu.wait_dma2 semaphore(%run_scoped3A : memref<!tpu.dma_semaphore, #tpu.memory_space<semaphore_mem>>) src(%arg11 : memref<128x128xf32, #tpu.memory_space<vmem>>) dst(%dma_wait3A_64 : memref<128x128xf32, #tpu.memory_space<hbm>>)
      tpu.yield
    }) : () -> ()
    %add3A_29 = arith.constant 256 : i32
    %add3A_30 = arith.addi %mul3A_2, %add3A_29 : i32
    "tpu.region"() ({
      %run_scoped3A = tpu.sem_alloc : memref<!tpu.dma_semaphore, #tpu.memory_space<semaphore_mem>>
      %dma_start3A_57 = tpu.memref_slice %arg2[%add3A_30] : memref<16384xi32, #tpu.memory_space<hbm>> -> memref<128xi32, #tpu.memory_space<hbm>>
      %dma_start3A_58 = tpu.memref_slice %arg2[%add3A_30] : memref<16384xi32, #tpu.memory_space<hbm>> -> memref<128xi32, #tpu.memory_space<hbm>>
      tpu.enqueue_dma source(%dma_start3A_58 : memref<128xi32, #tpu.memory_space<hbm>>) target(%arg8 : memref<128xi32, #tpu.memory_space<vmem>>) target_semaphore(%run_scoped3A : memref<!tpu.dma_semaphore, #tpu.memory_space<semaphore_mem>>)
      %dma_wait3A_59 = tpu.memref_slice %arg2[%add3A_30] : memref<16384xi32, #tpu.memory_space<hbm>> -> memref<128xi32, #tpu.memory_space<hbm>>
      %dma_wait3A_60 = tpu.memref_slice %arg2[%add3A_30] : memref<16384xi32, #tpu.memory_space<hbm>> -> memref<128xi32, #tpu.memory_space<hbm>>
      tpu.wait_dma2 semaphore(%run_scoped3A : memref<!tpu.dma_semaphore, #tpu.memory_space<semaphore_mem>>) src(%dma_wait3A_60 : memref<128xi32, #tpu.memory_space<hbm>>) dst(%arg8 : memref<128xi32, #tpu.memory_space<vmem>>)
      tpu.yield
    }) : () -> ()
    "tpu.region"() ({
      %run_scoped3A = tpu.sem_alloc : memref<!tpu.dma_semaphore, #tpu.memory_space<semaphore_mem>>
      %dma_start3A_57 = tpu.memref_slice %arg3[%add3A_30] : memref<16384xi32, #tpu.memory_space<hbm>> -> memref<128xi32, #tpu.memory_space<hbm>>
      %dma_start3A_58 = tpu.memref_slice %arg3[%add3A_30] : memref<16384xi32, #tpu.memory_space<hbm>> -> memref<128xi32, #tpu.memory_space<hbm>>
      tpu.enqueue_dma source(%dma_start3A_58 : memref<128xi32, #tpu.memory_space<hbm>>) target(%arg9 : memref<128xi32, #tpu.memory_space<vmem>>) target_semaphore(%run_scoped3A : memref<!tpu.dma_semaphore, #tpu.memory_space<semaphore_mem>>)
      %dma_wait3A_59 = tpu.memref_slice %arg3[%add3A_30] : memref<16384xi32, #tpu.memory_space<hbm>> -> memref<128xi32, #tpu.memory_space<hbm>>
      %dma_wait3A_60 = tpu.memref_slice %arg3[%add3A_30] : memref<16384xi32, #tpu.memory_space<hbm>> -> memref<128xi32, #tpu.memory_space<hbm>>
      tpu.wait_dma2 semaphore(%run_scoped3A : memref<!tpu.dma_semaphore, #tpu.memory_space<semaphore_mem>>) src(%dma_wait3A_60 : memref<128xi32, #tpu.memory_space<hbm>>) dst(%arg9 : memref<128xi32, #tpu.memory_space<vmem>>)
      tpu.yield
    }) : () -> ()
    %dma_start3A_31 = arith.constant 0 : i32
    %dma_start3A_32 = arith.constant 0 : i32
    %dma_start3A_33 = tpu.memref_slice %arg4[%dma_start3A_31, %dma_start3A_32] : memref<507904x128xf32, #tpu.memory_space<hbm>> -> memref<507904x128xf32, #tpu.memory_space<hbm>>
    tpu.enqueue_indirect_dma source(%dma_start3A_33 : memref<507904x128xf32, #tpu.memory_space<hbm>>) target(%arg10 : memref<128x128xf32, #tpu.memory_space<vmem>>) offsets(%arg8 : memref<128xi32, #tpu.memory_space<vmem>>) semaphore(%arg12 : memref<!tpu.dma_semaphore, #tpu.memory_space<semaphore_mem>>)
    %dma_start3A_34 = arith.constant 0 : i32
    %dma_start3A_35 = arith.constant 0 : i32
    %dma_start3A_36 = tpu.memref_slice %arg5[%dma_start3A_34, %dma_start3A_35] : memref<57344x128xf32, #tpu.memory_space<hbm>> -> memref<57344x128xf32, #tpu.memory_space<hbm>>
    tpu.enqueue_indirect_dma source(%dma_start3A_36 : memref<57344x128xf32, #tpu.memory_space<hbm>>) target(%arg11 : memref<128x128xf32, #tpu.memory_space<vmem>>) offsets(%arg9 : memref<128xi32, #tpu.memory_space<vmem>>) semaphore(%arg13 : memref<!tpu.dma_semaphore, #tpu.memory_space<semaphore_mem>>)
    %dma_wait3A_37 = arith.constant 0 : i32
    %dma_wait3A_38 = arith.constant 0 : i32
    %dma_wait3A_39 = tpu.memref_slice %arg4[%dma_wait3A_37, %dma_wait3A_38] : memref<507904x128xf32, #tpu.memory_space<hbm>> -> memref<507904x128xf32, #tpu.memory_space<hbm>>
    tpu.wait_indirect_dma semaphore(%arg12 : memref<!tpu.dma_semaphore, #tpu.memory_space<semaphore_mem>>) src(%dma_wait3A_39 : memref<507904x128xf32, #tpu.memory_space<hbm>>) dst(%arg10 : memref<128x128xf32, #tpu.memory_space<vmem>>)
    "tpu.region"() ({
      %run_scoped3A = tpu.sem_alloc : memref<!tpu.dma_semaphore, #tpu.memory_space<semaphore_mem>>
      %dma_start3A_57 = arith.constant 0 : i32
      %dma_start3A_58 = tpu.memref_slice %arg6[%add3A_30, %dma_start3A_57] : memref<16384x128xf32, #tpu.memory_space<hbm>> -> memref<128x128xf32, #tpu.memory_space<hbm>>
      %dma_start3A_59 = arith.constant 0 : i32
      %dma_start3A_60 = tpu.memref_slice %arg6[%add3A_30, %dma_start3A_59] : memref<16384x128xf32, #tpu.memory_space<hbm>> -> memref<128x128xf32, #tpu.memory_space<hbm>>
      tpu.enqueue_dma source(%arg10 : memref<128x128xf32, #tpu.memory_space<vmem>>) target(%dma_start3A_60 : memref<128x128xf32, #tpu.memory_space<hbm>>) target_semaphore(%run_scoped3A : memref<!tpu.dma_semaphore, #tpu.memory_space<semaphore_mem>>)
      %dma_wait3A_61 = arith.constant 0 : i32
      %dma_wait3A_62 = tpu.memref_slice %arg6[%add3A_30, %dma_wait3A_61] : memref<16384x128xf32, #tpu.memory_space<hbm>> -> memref<128x128xf32, #tpu.memory_space<hbm>>
      %dma_wait3A_63 = arith.constant 0 : i32
      %dma_wait3A_64 = tpu.memref_slice %arg6[%add3A_30, %dma_wait3A_63] : memref<16384x128xf32, #tpu.memory_space<hbm>> -> memref<128x128xf32, #tpu.memory_space<hbm>>
      tpu.wait_dma2 semaphore(%run_scoped3A : memref<!tpu.dma_semaphore, #tpu.memory_space<semaphore_mem>>) src(%arg10 : memref<128x128xf32, #tpu.memory_space<vmem>>) dst(%dma_wait3A_64 : memref<128x128xf32, #tpu.memory_space<hbm>>)
      tpu.yield
    }) : () -> ()
    %dma_wait3A_40 = arith.constant 0 : i32
    %dma_wait3A_41 = arith.constant 0 : i32
    %dma_wait3A_42 = tpu.memref_slice %arg5[%dma_wait3A_40, %dma_wait3A_41] : memref<57344x128xf32, #tpu.memory_space<hbm>> -> memref<57344x128xf32, #tpu.memory_space<hbm>>
    tpu.wait_indirect_dma semaphore(%arg13 : memref<!tpu.dma_semaphore, #tpu.memory_space<semaphore_mem>>) src(%dma_wait3A_42 : memref<57344x128xf32, #tpu.memory_space<hbm>>) dst(%arg11 : memref<128x128xf32, #tpu.memory_space<vmem>>)
    "tpu.region"() ({
      %run_scoped3A = tpu.sem_alloc : memref<!tpu.dma_semaphore, #tpu.memory_space<semaphore_mem>>
      %dma_start3A_57 = arith.constant 0 : i32
      %dma_start3A_58 = tpu.memref_slice %arg7[%add3A_30, %dma_start3A_57] : memref<16384x128xf32, #tpu.memory_space<hbm>> -> memref<128x128xf32, #tpu.memory_space<hbm>>
      %dma_start3A_59 = arith.constant 0 : i32
      %dma_start3A_60 = tpu.memref_slice %arg7[%add3A_30, %dma_start3A_59] : memref<16384x128xf32, #tpu.memory_space<hbm>> -> memref<128x128xf32, #tpu.memory_space<hbm>>
      tpu.enqueue_dma source(%arg11 : memref<128x128xf32, #tpu.memory_space<vmem>>) target(%dma_start3A_60 : memref<128x128xf32, #tpu.memory_space<hbm>>) target_semaphore(%run_scoped3A : memref<!tpu.dma_semaphore, #tpu.memory_space<semaphore_mem>>)
      %dma_wait3A_61 = arith.constant 0 : i32
      %dma_wait3A_62 = tpu.memref_slice %arg7[%add3A_30, %dma_wait3A_61] : memref<16384x128xf32, #tpu.memory_space<hbm>> -> memref<128x128xf32, #tpu.memory_space<hbm>>
      %dma_wait3A_63 = arith.constant 0 : i32
      %dma_wait3A_64 = tpu.memref_slice %arg7[%add3A_30, %dma_wait3A_63] : memref<16384x128xf32, #tpu.memory_space<hbm>> -> memref<128x128xf32, #tpu.memory_space<hbm>>
      tpu.wait_dma2 semaphore(%run_scoped3A : memref<!tpu.dma_semaphore, #tpu.memory_space<semaphore_mem>>) src(%arg11 : memref<128x128xf32, #tpu.memory_space<vmem>>) dst(%dma_wait3A_64 : memref<128x128xf32, #tpu.memory_space<hbm>>)
      tpu.yield
    }) : () -> ()
    %add3A_43 = arith.constant 384 : i32
    %add3A_44 = arith.addi %mul3A_2, %add3A_43 : i32
    "tpu.region"() ({
      %run_scoped3A = tpu.sem_alloc : memref<!tpu.dma_semaphore, #tpu.memory_space<semaphore_mem>>
      %dma_start3A_57 = tpu.memref_slice %arg2[%add3A_44] : memref<16384xi32, #tpu.memory_space<hbm>> -> memref<128xi32, #tpu.memory_space<hbm>>
      %dma_start3A_58 = tpu.memref_slice %arg2[%add3A_44] : memref<16384xi32, #tpu.memory_space<hbm>> -> memref<128xi32, #tpu.memory_space<hbm>>
      tpu.enqueue_dma source(%dma_start3A_58 : memref<128xi32, #tpu.memory_space<hbm>>) target(%arg8 : memref<128xi32, #tpu.memory_space<vmem>>) target_semaphore(%run_scoped3A : memref<!tpu.dma_semaphore, #tpu.memory_space<semaphore_mem>>)
      %dma_wait3A_59 = tpu.memref_slice %arg2[%add3A_44] : memref<16384xi32, #tpu.memory_space<hbm>> -> memref<128xi32, #tpu.memory_space<hbm>>
      %dma_wait3A_60 = tpu.memref_slice %arg2[%add3A_44] : memref<16384xi32, #tpu.memory_space<hbm>> -> memref<128xi32, #tpu.memory_space<hbm>>
      tpu.wait_dma2 semaphore(%run_scoped3A : memref<!tpu.dma_semaphore, #tpu.memory_space<semaphore_mem>>) src(%dma_wait3A_60 : memref<128xi32, #tpu.memory_space<hbm>>) dst(%arg8 : memref<128xi32, #tpu.memory_space<vmem>>)
      tpu.yield
    }) : () -> ()
    "tpu.region"() ({
      %run_scoped3A = tpu.sem_alloc : memref<!tpu.dma_semaphore, #tpu.memory_space<semaphore_mem>>
      %dma_start3A_57 = tpu.memref_slice %arg3[%add3A_44] : memref<16384xi32, #tpu.memory_space<hbm>> -> memref<128xi32, #tpu.memory_space<hbm>>
      %dma_start3A_58 = tpu.memref_slice %arg3[%add3A_44] : memref<16384xi32, #tpu.memory_space<hbm>> -> memref<128xi32, #tpu.memory_space<hbm>>
      tpu.enqueue_dma source(%dma_start3A_58 : memref<128xi32, #tpu.memory_space<hbm>>) target(%arg9 : memref<128xi32, #tpu.memory_space<vmem>>) target_semaphore(%run_scoped3A : memref<!tpu.dma_semaphore, #tpu.memory_space<semaphore_mem>>)
      %dma_wait3A_59 = tpu.memref_slice %arg3[%add3A_44] : memref<16384xi32, #tpu.memory_space<hbm>> -> memref<128xi32, #tpu.memory_space<hbm>>
      %dma_wait3A_60 = tpu.memref_slice %arg3[%add3A_44] : memref<16384xi32, #tpu.memory_space<hbm>> -> memref<128xi32, #tpu.memory_space<hbm>>
      tpu.wait_dma2 semaphore(%run_scoped3A : memref<!tpu.dma_semaphore, #tpu.memory_space<semaphore_mem>>) src(%dma_wait3A_60 : memref<128xi32, #tpu.memory_space<hbm>>) dst(%arg9 : memref<128xi32, #tpu.memory_space<vmem>>)
      tpu.yield
    }) : () -> ()
    %dma_start3A_45 = arith.constant 0 : i32
    %dma_start3A_46 = arith.constant 0 : i32
    %dma_start3A_47 = tpu.memref_slice %arg4[%dma_start3A_45, %dma_start3A_46] : memref<507904x128xf32, #tpu.memory_space<hbm>> -> memref<507904x128xf32, #tpu.memory_space<hbm>>
    tpu.enqueue_indirect_dma source(%dma_start3A_47 : memref<507904x128xf32, #tpu.memory_space<hbm>>) target(%arg10 : memref<128x128xf32, #tpu.memory_space<vmem>>) offsets(%arg8 : memref<128xi32, #tpu.memory_space<vmem>>) semaphore(%arg12 : memref<!tpu.dma_semaphore, #tpu.memory_space<semaphore_mem>>)
    %dma_start3A_48 = arith.constant 0 : i32
    %dma_start3A_49 = arith.constant 0 : i32
    %dma_start3A_50 = tpu.memref_slice %arg5[%dma_start3A_48, %dma_start3A_49] : memref<57344x128xf32, #tpu.memory_space<hbm>> -> memref<57344x128xf32, #tpu.memory_space<hbm>>
    tpu.enqueue_indirect_dma source(%dma_start3A_50 : memref<57344x128xf32, #tpu.memory_space<hbm>>) target(%arg11 : memref<128x128xf32, #tpu.memory_space<vmem>>) offsets(%arg9 : memref<128xi32, #tpu.memory_space<vmem>>) semaphore(%arg13 : memref<!tpu.dma_semaphore, #tpu.memory_space<semaphore_mem>>)
    %dma_wait3A_51 = arith.constant 0 : i32
    %dma_wait3A_52 = arith.constant 0 : i32
    %dma_wait3A_53 = tpu.memref_slice %arg4[%dma_wait3A_51, %dma_wait3A_52] : memref<507904x128xf32, #tpu.memory_space<hbm>> -> memref<507904x128xf32, #tpu.memory_space<hbm>>
    tpu.wait_indirect_dma semaphore(%arg12 : memref<!tpu.dma_semaphore, #tpu.memory_space<semaphore_mem>>) src(%dma_wait3A_53 : memref<507904x128xf32, #tpu.memory_space<hbm>>) dst(%arg10 : memref<128x128xf32, #tpu.memory_space<vmem>>)
    "tpu.region"() ({
      %run_scoped3A = tpu.sem_alloc : memref<!tpu.dma_semaphore, #tpu.memory_space<semaphore_mem>>
      %dma_start3A_57 = arith.constant 0 : i32
      %dma_start3A_58 = tpu.memref_slice %arg6[%add3A_44, %dma_start3A_57] : memref<16384x128xf32, #tpu.memory_space<hbm>> -> memref<128x128xf32, #tpu.memory_space<hbm>>
      %dma_start3A_59 = arith.constant 0 : i32
      %dma_start3A_60 = tpu.memref_slice %arg6[%add3A_44, %dma_start3A_59] : memref<16384x128xf32, #tpu.memory_space<hbm>> -> memref<128x128xf32, #tpu.memory_space<hbm>>
      tpu.enqueue_dma source(%arg10 : memref<128x128xf32, #tpu.memory_space<vmem>>) target(%dma_start3A_60 : memref<128x128xf32, #tpu.memory_space<hbm>>) target_semaphore(%run_scoped3A : memref<!tpu.dma_semaphore, #tpu.memory_space<semaphore_mem>>)
      %dma_wait3A_61 = arith.constant 0 : i32
      %dma_wait3A_62 = tpu.memref_slice %arg6[%add3A_44, %dma_wait3A_61] : memref<16384x128xf32, #tpu.memory_space<hbm>> -> memref<128x128xf32, #tpu.memory_space<hbm>>
      %dma_wait3A_63 = arith.constant 0 : i32
      %dma_wait3A_64 = tpu.memref_slice %arg6[%add3A_44, %dma_wait3A_63] : memref<16384x128xf32, #tpu.memory_space<hbm>> -> memref<128x128xf32, #tpu.memory_space<hbm>>
      tpu.wait_dma2 semaphore(%run_scoped3A : memref<!tpu.dma_semaphore, #tpu.memory_space<semaphore_mem>>) src(%arg10 : memref<128x128xf32, #tpu.memory_space<vmem>>) dst(%dma_wait3A_64 : memref<128x128xf32, #tpu.memory_space<hbm>>)
      tpu.yield
    }) : () -> ()
    %dma_wait3A_54 = arith.constant 0 : i32
    %dma_wait3A_55 = arith.constant 0 : i32
    %dma_wait3A_56 = tpu.memref_slice %arg5[%dma_wait3A_54, %dma_wait3A_55] : memref<57344x128xf32, #tpu.memory_space<hbm>> -> memref<57344x128xf32, #tpu.memory_space<hbm>>
    tpu.wait_indirect_dma semaphore(%arg13 : memref<!tpu.dma_semaphore, #tpu.memory_space<semaphore_mem>>) src(%dma_wait3A_56 : memref<57344x128xf32, #tpu.memory_space<hbm>>) dst(%arg11 : memref<128x128xf32, #tpu.memory_space<vmem>>)
    "tpu.region"() ({
      %run_scoped3A = tpu.sem_alloc : memref<!tpu.dma_semaphore, #tpu.memory_space<semaphore_mem>>
      %dma_start3A_57 = arith.constant 0 : i32
      %dma_start3A_58 = tpu.memref_slice %arg7[%add3A_44, %dma_start3A_57] : memref<16384x128xf32, #tpu.memory_space<hbm>> -> memref<128x128xf32, #tpu.memory_space<hbm>>
      %dma_start3A_59 = arith.constant 0 : i32
      %dma_start3A_60 = tpu.memref_slice %arg7[%add3A_44, %dma_start3A_59] : memref<16384x128xf32, #tpu.memory_space<hbm>> -> memref<128x128xf32, #tpu.memory_space<hbm>>
      tpu.enqueue_dma source(%arg11 : memref<128x128xf32, #tpu.memory_space<vmem>>) target(%dma_start3A_60 : memref<128x128xf32, #tpu.memory_space<hbm>>) target_semaphore(%run_scoped3A : memref<!tpu.dma_semaphore, #tpu.memory_space<semaphore_mem>>)
      %dma_wait3A_61 = arith.constant 0 : i32
      %dma_wait3A_62 = tpu.memref_slice %arg7[%add3A_44, %dma_wait3A_61] : memref<16384x128xf32, #tpu.memory_space<hbm>> -> memref<128x128xf32, #tpu.memory_space<hbm>>
      %dma_wait3A_63 = arith.constant 0 : i32
      %dma_wait3A_64 = tpu.memref_slice %arg7[%add3A_44, %dma_wait3A_63] : memref<16384x128xf32, #tpu.memory_space<hbm>> -> memref<128x128xf32, #tpu.memory_space<hbm>>
      tpu.wait_dma2 semaphore(%run_scoped3A : memref<!tpu.dma_semaphore, #tpu.memory_space<semaphore_mem>>) src(%arg11 : memref<128x128xf32, #tpu.memory_space<vmem>>) dst(%dma_wait3A_64 : memref<128x128xf32, #tpu.memory_space<hbm>>)
      tpu.yield
    }) : () -> ()
    return
  }
}

module attributes {stable_mosaic.version = 14 : i64} {
  func.func @_prep_body(%arg0: i32, %arg1: memref<64x8192xf32, #tpu.memory_space<vmem>>, %arg2: memref<64x8192xf32, #tpu.memory_space<vmem>>, %arg3: memref<64x8192xf32, #tpu.memory_space<vmem>>, %arg4: memref<64x8192xf32, #tpu.memory_space<vmem>>, %arg5: memref<8192x128xf32, #tpu.memory_space<vmem>>) attributes {dimension_semantics = [#tpu.dimension_semantics<parallel>], iteration_bounds = array<i64: 62>, scalar_prefetch = 0 : i64, scratch_operands = 0 : i64, tpu.core_type = #tpu.core_type<tc>, window_params = [{transform_indices = @transform_0, window_bounds = array<i64: 64, 8192>}, {transform_indices = @transform_1, window_bounds = array<i64: 64, 8192>}, {transform_indices = @transform_2, window_bounds = array<i64: 64, 8192>}, {transform_indices = @transform_3, window_bounds = array<i64: 64, 8192>}, {transform_indices = @transform_4, window_bounds = array<i64: 8192, 128>}]} {
    %get3A = arith.constant 0 : index
    %get3A_0 = arith.constant 0 : index
    %get3A_1 = vector.load %arg1[%get3A, %get3A_0] : memref<64x8192xf32, #tpu.memory_space<vmem>>, vector<64x8192xf32>
    %convert_element_type3A = arith.truncf %get3A_1 : vector<64x8192xf32> to vector<64x8192xbf16>
    %transpose3A = tpu.transpose %convert_element_type3A, [1, 0] : vector<64x8192xbf16> -> vector<8192x64xbf16>
    %get3A_2 = arith.constant 0 : index
    %get3A_3 = arith.constant 0 : index
    %get3A_4 = vector.load %arg3[%get3A_2, %get3A_3] : memref<64x8192xf32, #tpu.memory_space<vmem>>, vector<64x8192xf32>
    %convert_element_type3A_5 = arith.truncf %get3A_4 : vector<64x8192xf32> to vector<64x8192xbf16>
    %transpose3A_6 = tpu.transpose %convert_element_type3A_5, [1, 0] : vector<64x8192xbf16> -> vector<8192x64xbf16>
    %bitcast_convert_type3A = tpu.bitcast %transpose3A : vector<8192x64xbf16> -> vector<8192x64xi16>
    %convert_element_type3A_7 = arith.extui %bitcast_convert_type3A : vector<8192x64xi16> to vector<8192x64xi32>
    %bitcast_convert_type3A_8 = tpu.bitcast %transpose3A_6 : vector<8192x64xbf16> -> vector<8192x64xi16>
    %convert_element_type3A_9 = arith.extui %bitcast_convert_type3A_8 : vector<8192x64xi16> to vector<8192x64xi32>
    %shift_left3A = arith.constant 16 : i32
    %shift_left3A_10 = vector.broadcast %shift_left3A : i32 to vector<8192x64xi32>
    %shift_left3A_11 = arith.shli %convert_element_type3A_7, %shift_left3A_10 : vector<8192x64xi32>
    %or3A = arith.ori %shift_left3A_11, %convert_element_type3A_9 : vector<8192x64xi32>
    %get3A_12 = arith.constant 0 : index
    %get3A_13 = arith.constant 0 : index
    %get3A_14 = vector.load %arg2[%get3A_12, %get3A_13] : memref<64x8192xf32, #tpu.memory_space<vmem>>, vector<64x8192xf32>
    %convert_element_type3A_15 = arith.truncf %get3A_14 : vector<64x8192xf32> to vector<64x8192xbf16>
    %transpose3A_16 = tpu.transpose %convert_element_type3A_15, [1, 0] : vector<64x8192xbf16> -> vector<8192x64xbf16>
    %get3A_17 = arith.constant 0 : index
    %get3A_18 = arith.constant 0 : index
    %get3A_19 = vector.load %arg4[%get3A_17, %get3A_18] : memref<64x8192xf32, #tpu.memory_space<vmem>>, vector<64x8192xf32>
    %convert_element_type3A_20 = arith.truncf %get3A_19 : vector<64x8192xf32> to vector<64x8192xbf16>
    %transpose3A_21 = tpu.transpose %convert_element_type3A_20, [1, 0] : vector<64x8192xbf16> -> vector<8192x64xbf16>
    %bitcast_convert_type3A_22 = tpu.bitcast %transpose3A_16 : vector<8192x64xbf16> -> vector<8192x64xi16>
    %convert_element_type3A_23 = arith.extui %bitcast_convert_type3A_22 : vector<8192x64xi16> to vector<8192x64xi32>
    %bitcast_convert_type3A_24 = tpu.bitcast %transpose3A_21 : vector<8192x64xbf16> -> vector<8192x64xi16>
    %convert_element_type3A_25 = arith.extui %bitcast_convert_type3A_24 : vector<8192x64xi16> to vector<8192x64xi32>
    %shift_left3A_26 = arith.constant 16 : i32
    %shift_left3A_27 = vector.broadcast %shift_left3A_26 : i32 to vector<8192x64xi32>
    %shift_left3A_28 = arith.shli %convert_element_type3A_23, %shift_left3A_27 : vector<8192x64xi32>
    %or3A_29 = arith.ori %shift_left3A_28, %convert_element_type3A_25 : vector<8192x64xi32>
    %concatenate3A = tpu.concatenate %or3A, %or3A_29 in 1 : vector<8192x64xi32>, vector<8192x64xi32> -> vector<8192x128xi32>
    %bitcast_convert_type3A_30 = tpu.bitcast %concatenate3A : vector<8192x128xi32> -> vector<8192x128xf32>
    %swap3A = arith.constant 0 : index
    %swap3A_31 = arith.constant 0 : index
    %swap3A_32 = vector.load %arg5[%swap3A, %swap3A_31] : memref<8192x128xf32, #tpu.memory_space<vmem>>, vector<8192x128xf32>
    tpu.vector_store %arg5[%swap3A, %swap3A_31], %bitcast_convert_type3A_30 {strides = array<i32>} : memref<8192x128xf32, #tpu.memory_space<vmem>>, vector<8192x128xf32>,
    return
  }
  func.func @transform_0(%arg0: i32) -> (i32, i32) {
    %c0_i32 = arith.constant 0 : i32
    %c0_i32_0 = arith.constant 0 : i32
    return %c0_i32, %arg0 : i32, i32
  }
  func.func @transform_1(%arg0: i32) -> (i32, i32) {
    %add3A = arith.constant 62 : i32
    %add3A_0 = arith.addi %arg0, %add3A : i32
    %min3A = arith.constant 122 : i32
    %min3A_1 = arith.minsi %add3A_0, %min3A : i32
    %c0_i32 = arith.constant 0 : i32
    %c0_i32_2 = arith.constant 0 : i32
    return %c0_i32, %min3A_1 : i32, i32
  }
  func.func @transform_2(%arg0: i32) -> (i32, i32) {
    %c0_i32 = arith.constant 0 : i32
    %c0_i32_0 = arith.constant 0 : i32
    return %c0_i32, %arg0 : i32, i32
  }
  func.func @transform_3(%arg0: i32) -> (i32, i32) {
    %add3A = arith.constant 62 : i32
    %add3A_0 = arith.addi %arg0, %add3A : i32
    %min3A = arith.constant 122 : i32
    %min3A_1 = arith.minsi %add3A_0, %min3A : i32
    %c0_i32 = arith.constant 0 : i32
    %c0_i32_2 = arith.constant 0 : i32
    return %c0_i32, %min3A_1 : i32, i32
  }
  func.func @transform_4(%arg0: i32) -> (i32, i32) {
    %c0_i32 = arith.constant 0 : i32
    %c0_i32_0 = arith.constant 0 : i32
    return %arg0, %c0_i32 : i32, i32
  }
}

module attributes {stable_mosaic.version = 14 : i64} {
  func.func @_prep_body(%arg0: i32, %arg1: memref<64x8192xf32, #tpu.memory_space<vmem>>, %arg2: memref<64x8192xf32, #tpu.memory_space<vmem>>, %arg3: memref<64x8192xf32, #tpu.memory_space<vmem>>, %arg4: memref<64x8192xf32, #tpu.memory_space<vmem>>, %arg5: memref<8192x128xf32, #tpu.memory_space<vmem>>) attributes {dimension_semantics = [#tpu.dimension_semantics<parallel>], iteration_bounds = array<i64: 7>, scalar_prefetch = 0 : i64, scratch_operands = 0 : i64, tpu.core_type = #tpu.core_type<tc>, window_params = [{transform_indices = @transform_0, window_bounds = array<i64: 64, 8192>}, {transform_indices = @transform_1, window_bounds = array<i64: 64, 8192>}, {transform_indices = @transform_2, window_bounds = array<i64: 64, 8192>}, {transform_indices = @transform_3, window_bounds = array<i64: 64, 8192>}, {transform_indices = @transform_4, window_bounds = array<i64: 8192, 128>}]} {
    %get3A = arith.constant 0 : index
    %get3A_0 = arith.constant 0 : index
    %get3A_1 = vector.load %arg1[%get3A, %get3A_0] : memref<64x8192xf32, #tpu.memory_space<vmem>>, vector<64x8192xf32>
    %convert_element_type3A = arith.truncf %get3A_1 : vector<64x8192xf32> to vector<64x8192xbf16>
    %transpose3A = tpu.transpose %convert_element_type3A, [1, 0] : vector<64x8192xbf16> -> vector<8192x64xbf16>
    %get3A_2 = arith.constant 0 : index
    %get3A_3 = arith.constant 0 : index
    %get3A_4 = vector.load %arg3[%get3A_2, %get3A_3] : memref<64x8192xf32, #tpu.memory_space<vmem>>, vector<64x8192xf32>
    %convert_element_type3A_5 = arith.truncf %get3A_4 : vector<64x8192xf32> to vector<64x8192xbf16>
    %transpose3A_6 = tpu.transpose %convert_element_type3A_5, [1, 0] : vector<64x8192xbf16> -> vector<8192x64xbf16>
    %bitcast_convert_type3A = tpu.bitcast %transpose3A : vector<8192x64xbf16> -> vector<8192x64xi16>
    %convert_element_type3A_7 = arith.extui %bitcast_convert_type3A : vector<8192x64xi16> to vector<8192x64xi32>
    %bitcast_convert_type3A_8 = tpu.bitcast %transpose3A_6 : vector<8192x64xbf16> -> vector<8192x64xi16>
    %convert_element_type3A_9 = arith.extui %bitcast_convert_type3A_8 : vector<8192x64xi16> to vector<8192x64xi32>
    %shift_left3A = arith.constant 16 : i32
    %shift_left3A_10 = vector.broadcast %shift_left3A : i32 to vector<8192x64xi32>
    %shift_left3A_11 = arith.shli %convert_element_type3A_7, %shift_left3A_10 : vector<8192x64xi32>
    %or3A = arith.ori %shift_left3A_11, %convert_element_type3A_9 : vector<8192x64xi32>
    %get3A_12 = arith.constant 0 : index
    %get3A_13 = arith.constant 0 : index
    %get3A_14 = vector.load %arg2[%get3A_12, %get3A_13] : memref<64x8192xf32, #tpu.memory_space<vmem>>, vector<64x8192xf32>
    %convert_element_type3A_15 = arith.truncf %get3A_14 : vector<64x8192xf32> to vector<64x8192xbf16>
    %transpose3A_16 = tpu.transpose %convert_element_type3A_15, [1, 0] : vector<64x8192xbf16> -> vector<8192x64xbf16>
    %get3A_17 = arith.constant 0 : index
    %get3A_18 = arith.constant 0 : index
    %get3A_19 = vector.load %arg4[%get3A_17, %get3A_18] : memref<64x8192xf32, #tpu.memory_space<vmem>>, vector<64x8192xf32>
    %convert_element_type3A_20 = arith.truncf %get3A_19 : vector<64x8192xf32> to vector<64x8192xbf16>
    %transpose3A_21 = tpu.transpose %convert_element_type3A_20, [1, 0] : vector<64x8192xbf16> -> vector<8192x64xbf16>
    %bitcast_convert_type3A_22 = tpu.bitcast %transpose3A_16 : vector<8192x64xbf16> -> vector<8192x64xi16>
    %convert_element_type3A_23 = arith.extui %bitcast_convert_type3A_22 : vector<8192x64xi16> to vector<8192x64xi32>
    %bitcast_convert_type3A_24 = tpu.bitcast %transpose3A_21 : vector<8192x64xbf16> -> vector<8192x64xi16>
    %convert_element_type3A_25 = arith.extui %bitcast_convert_type3A_24 : vector<8192x64xi16> to vector<8192x64xi32>
    %shift_left3A_26 = arith.constant 16 : i32
    %shift_left3A_27 = vector.broadcast %shift_left3A_26 : i32 to vector<8192x64xi32>
    %shift_left3A_28 = arith.shli %convert_element_type3A_23, %shift_left3A_27 : vector<8192x64xi32>
    %or3A_29 = arith.ori %shift_left3A_28, %convert_element_type3A_25 : vector<8192x64xi32>
    %concatenate3A = tpu.concatenate %or3A, %or3A_29 in 1 : vector<8192x64xi32>, vector<8192x64xi32> -> vector<8192x128xi32>
    %bitcast_convert_type3A_30 = tpu.bitcast %concatenate3A : vector<8192x128xi32> -> vector<8192x128xf32>
    %swap3A = arith.constant 0 : index
    %swap3A_31 = arith.constant 0 : index
    %swap3A_32 = vector.load %arg5[%swap3A, %swap3A_31] : memref<8192x128xf32, #tpu.memory_space<vmem>>, vector<8192x128xf32>
    tpu.vector_store %arg5[%swap3A, %swap3A_31], %bitcast_convert_type3A_30 {strides = array<i32>} : memref<8192x128xf32, #tpu.memory_space<vmem>>, vector<8192x128xf32>,
    return
  }
  func.func @transform_0(%arg0: i32) -> (i32, i32) {
    %c0_i32 = arith.constant 0 : i32
    %c0_i32_0 = arith.constant 0 : i32
    return %c0_i32, %arg0 : i32, i32
  }
  func.func @transform_1(%arg0: i32) -> (i32, i32) {
    %add3A = arith.constant 7 : i32
    %add3A_0 = arith.addi %arg0, %add3A : i32
    %min3A = arith.constant 12 : i32
    %min3A_1 = arith.minsi %add3A_0, %min3A : i32
    %c0_i32 = arith.constant 0 : i32
    %c0_i32_2 = arith.constant 0 : i32
    return %c0_i32, %min3A_1 : i32, i32
  }
  func.func @transform_2(%arg0: i32) -> (i32, i32) {
    %c0_i32 = arith.constant 0 : i32
    %c0_i32_0 = arith.constant 0 : i32
    return %c0_i32, %arg0 : i32, i32
  }
  func.func @transform_3(%arg0: i32) -> (i32, i32) {
    %add3A = arith.constant 7 : i32
    %add3A_0 = arith.addi %arg0, %add3A : i32
    %min3A = arith.constant 12 : i32
    %min3A_1 = arith.minsi %add3A_0, %min3A : i32
    %c0_i32 = arith.constant 0 : i32
    %c0_i32_2 = arith.constant 0 : i32
    return %c0_i32, %min3A_1 : i32, i32
  }
  func.func @transform_4(%arg0: i32) -> (i32, i32) {
    %c0_i32 = arith.constant 0 : i32
    %c0_i32_0 = arith.constant 0 : i32
    return %arg0, %c0_i32 : i32, i32
  }
}

module attributes {stable_mosaic.version = 14 : i64} {
  func.func @_aug_body(%arg0: i32, %arg1: memref<2048x167xf32, #tpu.memory_space<vmem>>, %arg2: memref<167x64xf32, #tpu.memory_space<vmem>>, %arg3: memref<1x64xf32, #tpu.memory_space<vmem>>, %arg4: memref<64x64xf32, #tpu.memory_space<vmem>>, %arg5: memref<1x64xf32, #tpu.memory_space<vmem>>, %arg6: memref<2048x64xf32, #tpu.memory_space<vmem>>) attributes {dimension_semantics = [#tpu.dimension_semantics<parallel>], iteration_bounds = array<i64: 8>, scalar_prefetch = 0 : i64, scratch_operands = 0 : i64, tpu.core_type = #tpu.core_type<tc>, window_params = [{transform_indices = @transform_0, window_bounds = array<i64: 2048, 167>}, {pipeline_mode = #tpu.pipeline_mode<synchronous>, transform_indices = @transform_1, window_bounds = array<i64: 167, 64>}, {pipeline_mode = #tpu.pipeline_mode<synchronous>, transform_indices = @transform_2, window_bounds = array<i64: 1, 64>}, {pipeline_mode = #tpu.pipeline_mode<synchronous>, transform_indices = @transform_3, window_bounds = array<i64: 64, 64>}, {pipeline_mode = #tpu.pipeline_mode<synchronous>, transform_indices = @transform_4, window_bounds = array<i64: 1, 64>}, {transform_indices = @transform_5, window_bounds = array<i64: 2048, 64>}]} {
    %get3A = arith.constant 0 : index
    %get3A_0 = arith.constant 0 : index
    %get3A_1 = vector.load %arg1[%get3A, %get3A_0] : memref<2048x167xf32, #tpu.memory_space<vmem>>, vector<2048x167xf32>
    %get3A_2 = arith.constant 0 : index
    %get3A_3 = arith.constant 0 : index
    %get3A_4 = vector.load %arg2[%get3A_2, %get3A_3] : memref<167x64xf32, #tpu.memory_space<vmem>>, vector<167x64xf32>
    %dot_general3A = arith.constant dense<0.000000e+00> : vector<2048x64xf32>
    %dot_general3A_5 = tpu.matmul %get3A_1, %get3A_4, %dot_general3A {dimension_numbers = #tpu.dot_dimension_numbers<[1], [0], [0], [1], [0, 0, 1, 1], [], []>, transpose_lhs_hint = false} : vector<2048x167xf32>, vector<167x64xf32>, vector<2048x64xf32> -> vector<2048x64xf32>
    %get3A_6 = arith.constant 0 : index
    %get3A_7 = arith.constant 0 : index
    %get3A_8 = vector.load %arg3[%get3A_6, %get3A_7] : memref<1x64xf32, #tpu.memory_space<vmem>>, vector<1x64xf32>
    %add3A = vector.broadcast %get3A_8 : vector<1x64xf32> to vector<2048x64xf32>
    %add3A_9 = arith.addf %dot_general3A_5, %add3A : vector<2048x64xf32>
    %max3A = arith.constant 0.000000e+00 : f32
    %max3A_10 = vector.broadcast %max3A : f32 to vector<2048x64xf32>
    %max3A_11 = arith.maximumf %add3A_9, %max3A_10 : vector<2048x64xf32>
    %get3A_12 = arith.constant 0 : index
    %get3A_13 = arith.constant 0 : index
    %get3A_14 = vector.load %arg4[%get3A_12, %get3A_13] : memref<64x64xf32, #tpu.memory_space<vmem>>, vector<64x64xf32>
    %dot_general3A_15 = arith.constant dense<0.000000e+00> : vector<2048x64xf32>
    %dot_general3A_16 = tpu.matmul %max3A_11, %get3A_14, %dot_general3A_15 {dimension_numbers = #tpu.dot_dimension_numbers<[1], [0], [0], [1], [0, 0, 1, 1], [], []>, transpose_lhs_hint = false} : vector<2048x64xf32>, vector<64x64xf32>, vector<2048x64xf32> -> vector<2048x64xf32>
    %get3A_17 = arith.constant 0 : index
    %get3A_18 = arith.constant 0 : index
    %get3A_19 = vector.load %arg5[%get3A_17, %get3A_18] : memref<1x64xf32, #tpu.memory_space<vmem>>, vector<1x64xf32>
    %add3A_20 = vector.broadcast %get3A_19 : vector<1x64xf32> to vector<2048x64xf32>
    %add3A_21 = arith.addf %dot_general3A_16, %add3A_20 : vector<2048x64xf32>
    %swap3A = arith.constant 0 : index
    %swap3A_22 = arith.constant 0 : index
    %swap3A_23 = vector.load %arg6[%swap3A, %swap3A_22] : memref<2048x64xf32, #tpu.memory_space<vmem>>, vector<2048x64xf32>
    tpu.vector_store %arg6[%swap3A, %swap3A_22], %add3A_21 {strides = array<i32>} : memref<2048x64xf32, #tpu.memory_space<vmem>>, vector<2048x64xf32>,
    return
  }
  func.func @transform_0(%arg0: i32) -> (i32, i32) {
    %c0_i32 = arith.constant 0 : i32
    %c0_i32_0 = arith.constant 0 : i32
    return %arg0, %c0_i32 : i32, i32
  }
  func.func @transform_1(%arg0: i32) -> (i32, i32) {
    %c0_i32 = arith.constant 0 : i32
    %c0_i32_0 = arith.constant 0 : i32
    %c0_i32_1 = arith.constant 0 : i32
    return %c0_i32, %c0_i32_0 : i32, i32
  }
  func.func @transform_2(%arg0: i32) -> (i32, i32) {
    %c0_i32 = arith.constant 0 : i32
    %c0_i32_0 = arith.constant 0 : i32
    %c0_i32_1 = arith.constant 0 : i32
    return %c0_i32, %c0_i32_0 : i32, i32
  }
  func.func @transform_3(%arg0: i32) -> (i32, i32) {
    %c0_i32 = arith.constant 0 : i32
    %c0_i32_0 = arith.constant 0 : i32
    %c0_i32_1 = arith.constant 0 : i32
    return %c0_i32, %c0_i32_0 : i32, i32
  }
  func.func @transform_4(%arg0: i32) -> (i32, i32) {
    %c0_i32 = arith.constant 0 : i32
    %c0_i32_0 = arith.constant 0 : i32
    %c0_i32_1 = arith.constant 0 : i32
    return %c0_i32, %c0_i32_0 : i32, i32
  }
  func.func @transform_5(%arg0: i32) -> (i32, i32) {
    %c0_i32 = arith.constant 0 : i32
    %c0_i32_0 = arith.constant 0 : i32
    return %arg0, %c0_i32 : i32, i32
  }
}

module attributes {stable_mosaic.version = 14 : i64} {
  func.func @_fuse_body(%arg0: i32, %arg1: memref<2048x128xf32, #tpu.memory_space<vmem>>, %arg2: memref<2048x128xf32, #tpu.memory_space<vmem>>, %arg3: memref<1x1x2048xi32, #tpu.memory_space<vmem>>, %arg4: memref<1x1x2048xi32, #tpu.memory_space<vmem>>, %arg5: memref<2048x64xf32, #tpu.memory_space<vmem>>, %arg6: memref<64x64xf32, #tpu.memory_space<vmem>>, %arg7: memref<64x64xf32, #tpu.memory_space<vmem>>, %arg8: memref<1x64xf32, #tpu.memory_space<vmem>>, %arg9: memref<64x1xf32, #tpu.memory_space<vmem>>, %arg10: memref<64x1xf32, #tpu.memory_space<vmem>>, %arg11: memref<64x1xf32, #tpu.memory_space<vmem>>, %arg12: memref<1x1xf32, #tpu.memory_space<vmem>>, %arg13: memref<2048x1xf32, #tpu.memory_space<vmem>>) attributes {dimension_semantics = [#tpu.dimension_semantics<parallel>], iteration_bounds = array<i64: 8>, scalar_prefetch = 0 : i64, scratch_operands = 0 : i64, tpu.core_type = #tpu.core_type<tc>, window_params = [{transform_indices = @transform_0, window_bounds = array<i64: 2048, 128>}, {transform_indices = @transform_1, window_bounds = array<i64: 2048, 128>}, {transform_indices = @transform_2, window_bounds = array<i64: 1, 1, 2048>}, {transform_indices = @transform_3, window_bounds = array<i64: 1, 1, 2048>}, {transform_indices = @transform_4, window_bounds = array<i64: 2048, 64>}, {pipeline_mode = #tpu.pipeline_mode<synchronous>, transform_indices = @transform_5, window_bounds = array<i64: 64, 64>}, {pipeline_mode = #tpu.pipeline_mode<synchronous>, transform_indices = @transform_6, window_bounds = array<i64: 64, 64>}, {pipeline_mode = #tpu.pipeline_mode<synchronous>, transform_indices = @transform_7, window_bounds = array<i64: 1, 64>}, {pipeline_mode = #tpu.pipeline_mode<synchronous>, transform_indices = @transform_8, window_bounds = array<i64: 64, 1>}, {pipeline_mode = #tpu.pipeline_mode<synchronous>, transform_indices = @transform_9, window_bounds = array<i64: 64, 1>}, {pipeline_mode = #tpu.pipeline_mode<synchronous>, transform_indices = @transform_10, window_bounds = array<i64: 64, 1>}, {pipeline_mode = #tpu.pipeline_mode<synchronous>, transform_indices = @transform_11, window_bounds = array<i64: 1, 1>}, {transform_indices = @transform_12, window_bounds = array<i64: 2048, 1>}]} {
    %get3A = arith.constant 0 : index
    %get3A_0 = arith.constant 0 : index
    %get3A_1 = arith.constant 0 : index
    %get3A_2 = vector.load %arg3[%get3A, %get3A_0, %get3A_1] : memref<1x1x2048xi32, #tpu.memory_space<vmem>>, vector<1x1x2048xi32>
    %reshape3A = vector.shape_cast %get3A_2 : vector<1x1x2048xi32> to vector<1x2048xi32>
    %transpose3A = tpu.transpose %reshape3A, [1, 0] : vector<1x2048xi32> -> vector<2048x1xi32>
    %ge3A = arith.constant 507904 : i32
    %ge3A_3 = vector.broadcast %ge3A : i32 to vector<2048x1xi32>
    %ge3A_4 = arith.cmpi sge, %transpose3A, %ge3A_3 : vector<2048x1xi32>
    %get3A_5 = arith.constant 0 : index
    %get3A_6 = arith.constant 0 : index
    %get3A_7 = vector.load %arg1[%get3A_5, %get3A_6] : memref<2048x128xf32, #tpu.memory_space<vmem>>, vector<2048x128xf32>
    %bitcast_convert_type3A = tpu.bitcast %get3A_7 : vector<2048x128xf32> -> vector<2048x128xi32>
    %slice3A = vector.extract_strided_slice %bitcast_convert_type3A {offsets = [0, 64], sizes = [2048, 64], strides = [1, 1]} : vector<2048x128xi32> to vector<2048x64xi32>
    %slice3A_8 = vector.extract_strided_slice %bitcast_convert_type3A {offsets = [0, 0], sizes = [2048, 64], strides = [1, 1]} : vector<2048x128xi32> to vector<2048x64xi32>
    %broadcast_in_dim3A = vector.shape_cast %ge3A_4 : vector<2048x1xi1> to vector<2048x1xi1>
    %broadcast_in_dim3A_9 = vector.broadcast %broadcast_in_dim3A : vector<2048x1xi1> to vector<2048x64xi1>
    %select_n3A = arith.select %broadcast_in_dim3A_9, %slice3A, %slice3A_8 : vector<2048x64xi1>, vector<2048x64xi32>
    %and3A = arith.constant -65536 : i32
    %and3A_10 = vector.broadcast %and3A : i32 to vector<2048x64xi32>
    %and3A_11 = arith.andi %select_n3A, %and3A_10 : vector<2048x64xi32>
    %bitcast_convert_type3A_12 = tpu.bitcast %and3A_11 : vector<2048x64xi32> -> vector<2048x64xf32>
    %shift_left3A = arith.constant 16 : i32
    %shift_left3A_13 = vector.broadcast %shift_left3A : i32 to vector<2048x64xi32>
    %shift_left3A_14 = arith.shli %select_n3A, %shift_left3A_13 : vector<2048x64xi32>
    %bitcast_convert_type3A_15 = tpu.bitcast %shift_left3A_14 : vector<2048x64xi32> -> vector<2048x64xf32>
    %get3A_16 = arith.constant 0 : index
    %get3A_17 = arith.constant 0 : index
    %get3A_18 = arith.constant 0 : index
    %get3A_19 = vector.load %arg4[%get3A_16, %get3A_17, %get3A_18] : memref<1x1x2048xi32, #tpu.memory_space<vmem>>, vector<1x1x2048xi32>
    %reshape3A_20 = vector.shape_cast %get3A_19 : vector<1x1x2048xi32> to vector<1x2048xi32>
    %transpose3A_21 = tpu.transpose %reshape3A_20, [1, 0] : vector<1x2048xi32> -> vector<2048x1xi32>
    %ge3A_22 = arith.constant 57344 : i32
    %ge3A_23 = vector.broadcast %ge3A_22 : i32 to vector<2048x1xi32>
    %ge3A_24 = arith.cmpi sge, %transpose3A_21, %ge3A_23 : vector<2048x1xi32>
    %get3A_25 = arith.constant 0 : index
    %get3A_26 = arith.constant 0 : index
    %get3A_27 = vector.load %arg2[%get3A_25, %get3A_26] : memref<2048x128xf32, #tpu.memory_space<vmem>>, vector<2048x128xf32>
    %bitcast_convert_type3A_28 = tpu.bitcast %get3A_27 : vector<2048x128xf32> -> vector<2048x128xi32>
    %slice3A_29 = vector.extract_strided_slice %bitcast_convert_type3A_28 {offsets = [0, 64], sizes = [2048, 64], strides = [1, 1]} : vector<2048x128xi32> to vector<2048x64xi32>
    %slice3A_30 = vector.extract_strided_slice %bitcast_convert_type3A_28 {offsets = [0, 0], sizes = [2048, 64], strides = [1, 1]} : vector<2048x128xi32> to vector<2048x64xi32>
    %broadcast_in_dim3A_31 = vector.shape_cast %ge3A_24 : vector<2048x1xi1> to vector<2048x1xi1>
    %broadcast_in_dim3A_32 = vector.broadcast %broadcast_in_dim3A_31 : vector<2048x1xi1> to vector<2048x64xi1>
    %select_n3A_33 = arith.select %broadcast_in_dim3A_32, %slice3A_29, %slice3A_30 : vector<2048x64xi1>, vector<2048x64xi32>
    %and3A_34 = arith.constant -65536 : i32
    %and3A_35 = vector.broadcast %and3A_34 : i32 to vector<2048x64xi32>
    %and3A_36 = arith.andi %select_n3A_33, %and3A_35 : vector<2048x64xi32>
    %bitcast_convert_type3A_37 = tpu.bitcast %and3A_36 : vector<2048x64xi32> -> vector<2048x64xf32>
    %shift_left3A_38 = arith.constant 16 : i32
    %shift_left3A_39 = vector.broadcast %shift_left3A_38 : i32 to vector<2048x64xi32>
    %shift_left3A_40 = arith.shli %select_n3A_33, %shift_left3A_39 : vector<2048x64xi32>
    %bitcast_convert_type3A_41 = tpu.bitcast %shift_left3A_40 : vector<2048x64xi32> -> vector<2048x64xf32>
    %mul3A = arith.mulf %bitcast_convert_type3A_37, %bitcast_convert_type3A_12 : vector<2048x64xf32>
    %get3A_42 = arith.constant 0 : index
    %get3A_43 = arith.constant 0 : index
    %get3A_44 = vector.load %arg6[%get3A_42, %get3A_43] : memref<64x64xf32, #tpu.memory_space<vmem>>, vector<64x64xf32>
    %dot_general3A = arith.constant dense<0.000000e+00> : vector<2048x64xf32>
    %dot_general3A_45 = tpu.matmul %bitcast_convert_type3A_41, %get3A_44, %dot_general3A {dimension_numbers = #tpu.dot_dimension_numbers<[1], [0], [0], [1], [0, 0, 1, 1], [], []>, transpose_lhs_hint = false} : vector<2048x64xf32>, vector<64x64xf32>, vector<2048x64xf32> -> vector<2048x64xf32>
    %get3A_46 = arith.constant 0 : index
    %get3A_47 = arith.constant 0 : index
    %get3A_48 = vector.load %arg7[%get3A_46, %get3A_47] : memref<64x64xf32, #tpu.memory_space<vmem>>, vector<64x64xf32>
    %dot_general3A_49 = arith.constant dense<0.000000e+00> : vector<2048x64xf32>
    %dot_general3A_50 = tpu.matmul %bitcast_convert_type3A_15, %get3A_48, %dot_general3A_49 {dimension_numbers = #tpu.dot_dimension_numbers<[1], [0], [0], [1], [0, 0, 1, 1], [], []>, transpose_lhs_hint = false} : vector<2048x64xf32>, vector<64x64xf32>, vector<2048x64xf32> -> vector<2048x64xf32>
    %add3A = arith.addf %dot_general3A_45, %dot_general3A_50 : vector<2048x64xf32>
    %get3A_51 = arith.constant 0 : index
    %get3A_52 = arith.constant 0 : index
    %get3A_53 = vector.load %arg8[%get3A_51, %get3A_52] : memref<1x64xf32, #tpu.memory_space<vmem>>, vector<1x64xf32>
    %add3A_54 = vector.broadcast %get3A_53 : vector<1x64xf32> to vector<2048x64xf32>
    %add3A_55 = arith.addf %add3A, %add3A_54 : vector<2048x64xf32>
    %max3A = arith.constant 0.000000e+00 : f32
    %max3A_56 = vector.broadcast %max3A : f32 to vector<2048x64xf32>
    %max3A_57 = arith.maximumf %add3A_55, %max3A_56 : vector<2048x64xf32>
    %get3A_58 = arith.constant 0 : index
    %get3A_59 = arith.constant 0 : index
    %get3A_60 = vector.load %arg9[%get3A_58, %get3A_59] : memref<64x1xf32, #tpu.memory_space<vmem>>, vector<64x1xf32>
    %dot_general3A_61 = arith.constant dense<0.000000e+00> : vector<2048x1xf32>
    %dot_general3A_62 = tpu.matmul %mul3A, %get3A_60, %dot_general3A_61 {dimension_numbers = #tpu.dot_dimension_numbers<[1], [0], [0], [1], [0, 0, 1, 1], [], []>, transpose_lhs_hint = false} : vector<2048x64xf32>, vector<64x1xf32>, vector<2048x1xf32> -> vector<2048x1xf32>
    %get3A_63 = arith.constant 0 : index
    %get3A_64 = arith.constant 0 : index
    %get3A_65 = vector.load %arg10[%get3A_63, %get3A_64] : memref<64x1xf32, #tpu.memory_space<vmem>>, vector<64x1xf32>
    %dot_general3A_66 = arith.constant dense<0.000000e+00> : vector<2048x1xf32>
    %dot_general3A_67 = tpu.matmul %max3A_57, %get3A_65, %dot_general3A_66 {dimension_numbers = #tpu.dot_dimension_numbers<[1], [0], [0], [1], [0, 0, 1, 1], [], []>, transpose_lhs_hint = false} : vector<2048x64xf32>, vector<64x1xf32>, vector<2048x1xf32> -> vector<2048x1xf32>
    %add3A_68 = arith.addf %dot_general3A_62, %dot_general3A_67 : vector<2048x1xf32>
    %get3A_69 = arith.constant 0 : index
    %get3A_70 = arith.constant 0 : index
    %get3A_71 = vector.load %arg5[%get3A_69, %get3A_70] : memref<2048x64xf32, #tpu.memory_space<vmem>>, vector<2048x64xf32>
    %get3A_72 = arith.constant 0 : index
    %get3A_73 = arith.constant 0 : index
    %get3A_74 = vector.load %arg11[%get3A_72, %get3A_73] : memref<64x1xf32, #tpu.memory_space<vmem>>, vector<64x1xf32>
    %dot_general3A_75 = arith.constant dense<0.000000e+00> : vector<2048x1xf32>
    %dot_general3A_76 = tpu.matmul %get3A_71, %get3A_74, %dot_general3A_75 {dimension_numbers = #tpu.dot_dimension_numbers<[1], [0], [0], [1], [0, 0, 1, 1], [], []>, transpose_lhs_hint = false} : vector<2048x64xf32>, vector<64x1xf32>, vector<2048x1xf32> -> vector<2048x1xf32>
    %add3A_77 = arith.addf %add3A_68, %dot_general3A_76 : vector<2048x1xf32>
    %get3A_78 = arith.constant 0 : index
    %get3A_79 = arith.constant 0 : index
    %get3A_80 = vector.load %arg12[%get3A_78, %get3A_79] : memref<1x1xf32, #tpu.memory_space<vmem>>, vector<1x1xf32>
    %get3A_81 = vector.extract %get3A_80[0, 0] : f32 from vector<1x1xf32>
    %add3A_82 = vector.broadcast %get3A_81 : f32 to vector<2048x1xf32>
    %add3A_83 = arith.addf %add3A_77, %add3A_82 : vector<2048x1xf32>
    %logistic3A = arith.negf %add3A_83 : vector<2048x1xf32>
    %logistic3A_84 = math.exp %logistic3A : vector<2048x1xf32>
    %logistic3A_85 = arith.constant 1.000000e+00 : f32
    %logistic3A_86 = vector.broadcast %logistic3A_85 : f32 to vector<2048x1xf32>
    %logistic3A_87 = arith.addf %logistic3A_86, %logistic3A_84 : vector<2048x1xf32>
    %logistic3A_88 = arith.divf %logistic3A_86, %logistic3A_87 : vector<2048x1xf32>
    %swap3A = arith.constant 0 : index
    %swap3A_89 = arith.constant 0 : index
    %swap3A_90 = vector.load %arg13[%swap3A, %swap3A_89] : memref<2048x1xf32, #tpu.memory_space<vmem>>, vector<2048x1xf32>
    tpu.vector_store %arg13[%swap3A, %swap3A_89], %logistic3A_88 {strides = array<i32>} : memref<2048x1xf32, #tpu.memory_space<vmem>>, vector<2048x1xf32>,
    return
  }
  func.func @transform_0(%arg0: i32) -> (i32, i32) {
    %c0_i32 = arith.constant 0 : i32
    %c0_i32_0 = arith.constant 0 : i32
    return %arg0, %c0_i32 : i32, i32
  }
  func.func @transform_1(%arg0: i32) -> (i32, i32) {
    %c0_i32 = arith.constant 0 : i32
    %c0_i32_0 = arith.constant 0 : i32
    return %arg0, %c0_i32 : i32, i32
  }
  func.func @transform_2(%arg0: i32) -> (i32, i32, i32) {
    %c0_i32 = arith.constant 0 : i32
    %c0_i32_0 = arith.constant 0 : i32
    %c0_i32_1 = arith.constant 0 : i32
    return %arg0, %c0_i32, %c0_i32_0 : i32, i32, i32
  }
  func.func @transform_3(%arg0: i32) -> (i32, i32, i32) {
    %c0_i32 = arith.constant 0 : i32
    %c0_i32_0 = arith.constant 0 : i32
    %c0_i32_1 = arith.constant 0 : i32
    return %arg0, %c0_i32, %c0_i32_0 : i32, i32, i32
  }
  func.func @transform_4(%arg0: i32) -> (i32, i32) {
    %c0_i32 = arith.constant 0 : i32
    %c0_i32_0 = arith.constant 0 : i32
    return %arg0, %c0_i32 : i32, i32
  }
  func.func @transform_5(%arg0: i32) -> (i32, i32) {
    %c0_i32 = arith.constant 0 : i32
    %c0_i32_0 = arith.constant 0 : i32
    %c0_i32_1 = arith.constant 0 : i32
    return %c0_i32, %c0_i32_0 : i32, i32
  }
  func.func @transform_6(%arg0: i32) -> (i32, i32) {
    %c0_i32 = arith.constant 0 : i32
    %c0_i32_0 = arith.constant 0 : i32
    %c0_i32_1 = arith.constant 0 : i32
    return %c0_i32, %c0_i32_0 : i32, i32
  }
  func.func @transform_7(%arg0: i32) -> (i32, i32) {
    %c0_i32 = arith.constant 0 : i32
    %c0_i32_0 = arith.constant 0 : i32
    %c0_i32_1 = arith.constant 0 : i32
    return %c0_i32, %c0_i32_0 : i32, i32
  }
  func.func @transform_8(%arg0: i32) -> (i32, i32) {
    %c0_i32 = arith.constant 0 : i32
    %c0_i32_0 = arith.constant 0 : i32
    %c0_i32_1 = arith.constant 0 : i32
    return %c0_i32, %c0_i32_0 : i32, i32
  }
  func.func @transform_9(%arg0: i32) -> (i32, i32) {
    %c0_i32 = arith.constant 0 : i32
    %c0_i32_0 = arith.constant 0 : i32
    %c0_i32_1 = arith.constant 0 : i32
    return %c0_i32, %c0_i32_0 : i32, i32
  }
  func.func @transform_10(%arg0: i32) -> (i32, i32) {
    %c0_i32 = arith.constant 0 : i32
    %c0_i32_0 = arith.constant 0 : i32
    %c0_i32_1 = arith.constant 0 : i32
    return %c0_i32, %c0_i32_0 : i32, i32
  }
  func.func @transform_11(%arg0: i32) -> (i32, i32) {
    %c0_i32 = arith.constant 0 : i32
    %c0_i32_0 = arith.constant 0 : i32
    %c0_i32_1 = arith.constant 0 : i32
    return %c0_i32, %c0_i32_0 : i32, i32
  }
  func.func @transform_12(%arg0: i32) -> (i32, i32) {
    %c0_i32 = arith.constant 0 : i32
    %c0_i32_0 = arith.constant 0 : i32
    return %arg0, %c0_i32 : i32, i32
  }
}

</mosaic_0001>

<sc_bundles>
// kernel: kernel.7.cloned.1.call-start
scs
__scs_entry_jumppad:
0x0: {  	(pc) =	sbr.rel $0x88, $3  }
0x1: {  	(tag) =	ssettag $0x0;
	lr =	simm.s32 $0x1  }
0x2: {  	[smem:$0x3F92] =	sst lr;
	_ =	strace $0xD0000000  }
0x3: {  	_ = 	snop  }
0x4: {  	_ = 	snop  }
0x5: {  	_ = 	snop  }
0x6: {  	_ = 	snop  }
0x7: {  	_ = 	snop  }
__scs_overlays_trampoline_lowered:
0x8: {  	[smem:$0x3FA1] =	sst s0  }
0x9: {  	[smem:$0x3FA2] =	sst s1  }
0xa: {  	[smem:$0x3FA3] =	sst s2  }
0xb: {  	[smem:$0x3FA4] =	sst s3  }
0xc: {  	[smem:$0x3FA5] =	sst s4  }
0xd: {  	[smem:$0x3FA6] =	sst s5  }
0xe: {  	[smem:$0x3FA7] =	sst s6  }
0xf: {  	[smem:$0x3FA8] =	sst s7  }
0x10: {  	[smem:$0x3FA9] =	sst s8  }
0x11: {  	[smem:$0x3FAA] =	sst s9;
	s0 =	simm.s32 @!p0 $0x0  }
0x12: {  	s1 =	sld [smem:$0x3F90];
	s0 =	simm.s32 @p0 $0x1  }
0x13: {  	[smem:$0x3FAB] =	sst s0;
	s0 =	simm.s32 @!p1 $0x0  }
0x14: {  	s2 =	sld [smem:$0x3F8F];
	s0 =	simm.s32 @p1 $0x1  }
0x15: {  	[smem:$0x3FAC] =	sst s0;
	s0 =	simm.s32 @!p2 $0x0  }
0x16: {  	s3 =	sld [smem:$0x3FDB];
	s0 =	simm.s32 @p2 $0x1  }
0x17: {  	s4 =	simm.s32 $0x1BF5;
	[smem:$0x3FAE] =	sst s0  }
0x18: {  	s0 =	sld [smem:$0x3F91];
	_ =	swait.ge [sflag:s4], $0x0  }
0x19: {  	s7 =	sld [smem:$0x3F92]  }
0x1a: {  	s8 =	sadd.s32 $0xFFFFE003, lr  }
0x1b: {  	s9 =	sadd.s32 $0xFFFFFEF7, lr;
	s5 =	simm.s32 $0xFFFFFFFF;
	p2 =	slt.u32 s8, $0xFFFFF086  }
0x1c: {  	p1 =	slt.u32 s9, $0xF7A;
	s5 =	simm.s32 @!p2 $0x0  }
0x1d: {  	s5 =	simm.s32 @p1 $0x1;
	p0 =	seq.s32 s7, s2  }
0x1e: {  	s7 =	smul.u32 @!p0 $0xF7A, s2;
	p2 =	seq.s32 @!p0 s5, $0x0  }
0x1f: {  	s9 =	smul.u32 $0xF7A, s1;
	s8 =	simm.s32 @!p0 $0x1BF5;
	p2 =	por !p2, p0  }
0x20: {  	[sflag:s8] =	ssyncset.s32 @!p0 $0xFFFFF086;
	s6 =	sadd.s32 @!p0 s3, s7;
	s7 =	simm.s32 @!p0 $0x108  }
0x21: {  	s3 =	sadd.s32 s3, s9;
	s6 =	sadd.s32 @!p0 $0x88, s6;
	s7 =	simm.s32 @p2 $0x1082  }
0x22: {  	[simem:s7], [sflag:s8] =	dma.local @!p0 [hbm:s6], $0xF7A  }
0x23: {  	s9 =	sor.u32 $0xD0000000, s2;
	s6 =	simm.s32 $0x108;
	_ =	swait.ge @!p0 [sflag:s8], $0x0  }
0x24: {  	s3 =	sadd.s32 $0x88, s3;
	s6 =	simm.s32 @!p1 $0x1082;
	[sflag:s4] =	ssyncset.s32 $0xFFFFF086  }
0x25: {  	[simem:s6], [sflag:s4] =	dma.local [hbm:s3], $0xF7A  }
0x26: {  	[smem:$0x3F92] =	sst s1;
	(tag) =	ssettag s2;
	_ =	strace s9  }
0x27: {  	s1 =	sld [smem:$0x3FA2]  }
0x28: {  	s2 =	sld [smem:$0x3FA3]  }
0x29: {  	s4 =	sld [smem:$0x3FA5]  }
0x2a: {  	p0 =	seq.s32 s5, $0x0;
	s5 =	sld [smem:$0x3FA6]  }
0x2b: {  	s6 =	sld [smem:$0x3FA7]  }
0x2c: {  	s7 =	sld [smem:$0x3FA8]  }
0x2d: {  	s3 =	simm.s32 $0x108;
	s8 =	sld [smem:$0x3FA9]  }
0x2e: {  	s3 =	simm.s32 @!p0 $0x1082;
	s9 =	sld [smem:$0x3FAA]  }
0x2f: {  	lr =	sadd.s32 s0, s3;
	s0 =	sld [smem:$0x3FA1]  }
0x30: {  	s3 =	sld [smem:$0x3FA4]  }
0x31: {  	[smem:$0x3FAD] =	sst s10  }
0x32: {  	s10 =	sld [smem:$0x3FAB];
	_ =	sdelay $0x3  }
0x33: {  	p0 =	seq.s32 s10, $0x1;
	s10 =	sld [smem:$0x3FAD];
	_ =	sdelay $0x3  }
0x34: {  	[smem:$0x3FAD] =	sst s10  }
0x35: {  	s10 =	sld [smem:$0x3FAC];
	_ =	sdelay $0x3  }
0x36: {  	p1 =	seq.s32 s10, $0x1;
	s10 =	sld [smem:$0x3FAD];
	_ =	sdelay $0x3  }
0x37: {  	[smem:$0x3FAD] =	sst s10  }
0x38: {  	s10 =	sld [smem:$0x3FAE]  }
0x39: {  	_ = 	snop;
	(pc) =	sbr.ind lr, $3  }
0x3a: {  	_ = 	snop  }
0x3b: {  	_ = 	snop  }
0x3c: {  	p2 =	seq.s32 s10, $0x1;
	s10 =	sld [smem:$0x3FAD]  }
0x3d: {  	_ =	shalt  }
0x3e: {  	_ =	shalt  }
0x3f: {  	_ =	shalt  }
0x40: {  	_ =	shalt  }
0x41: {  	_ =	shalt  }
0x42: {  	_ =	shalt  }
0x43: {  	_ =	shalt  }
0x44: {  	_ =	shalt  }
0x45: {  	_ =	shalt  }
0x46: {  	_ =	shalt  }
0x47: {  	_ =	shalt  }
0x48: {  	_ =	shalt  }
0x49: {  	_ =	shalt  }
0x4a: {  	_ =	shalt  }
0x4b: {  	_ =	shalt  }
0x4c: {  	_ =	shalt  }
0x4d: {  	_ =	shalt  }
0x4e: {  	_ =	shalt  }
0x4f: {  	_ =	shalt  }
0x50: {  	_ =	shalt  }
0x51: {  	_ =	shalt  }
0x52: {  	_ =	shalt  }
0x53: {  	_ =	shalt  }
0x54: {  	_ =	shalt  }
0x55: {  	_ =	shalt  }
0x56: {  	_ =	shalt  }
0x57: {  	_ =	shalt  }
0x58: {  	_ =	shalt  }
0x59: {  	_ =	shalt  }
0x5a: {  	_ =	shalt  }
0x5b: {  	_ =	shalt  }
0x5c: {  	_ =	shalt  }
0x5d: {  	_ =	shalt  }
0x5e: {  	_ =	shalt  }
0x5f: {  	_ =	shalt  }
0x60: {  	_ =	shalt  }
0x61: {  	_ =	shalt  }
0x62: {  	_ =	shalt  }
0x63: {  	_ =	shalt  }
0x64: {  	_ =	shalt  }
0x65: {  	_ =	shalt  }
0x66: {  	_ =	shalt  }
0x67: {  	_ =	shalt  }
0x68: {  	_ =	shalt  }
0x69: {  	_ =	shalt  }
0x6a: {  	_ =	shalt  }
0x6b: {  	_ =	shalt  }
0x6c: {  	_ =	shalt  }
0x6d: {  	_ =	shalt  }
0x6e: {  	_ =	shalt  }
0x6f: {  	_ =	shalt  }
0x70: {  	_ =	shalt  }
0x71: {  	_ =	shalt  }
0x72: {  	_ =	shalt  }
0x73: {  	_ =	shalt  }
0x74: {  	_ =	shalt  }
0x75: {  	_ =	shalt  }
0x76: {  	_ =	shalt  }
0x77: {  	_ =	shalt  }
0x78: {  	_ =	shalt  }
0x79: {  	_ =	shalt  }
0x7a: {  	_ =	shalt  }
0x7b: {  	_ =	shalt  }
0x7c: {  	_ =	shalt  }
0x7d: {  	_ =	shalt  }
0x7e: {  	_ =	shalt  }
0x7f: {  	_ =	shalt  }
0x80: {  	_ =	shalt  }
0x81: {  	_ =	shalt  }
0x82: {  	_ =	shalt  }
0x83: {  	_ =	shalt  }
0x84: {  	_ =	shalt  }
0x85: {  	_ =	shalt  }
0x86: {  	_ =	shalt  }
0x87: {  	_ =	shalt  }
.Lfunc_end0:
.L_simem_size_0:
called_computation_lowered:
.L_overlay_start_0:
0x88: {  	s2 =	sld [smem:$0x3FD9]  }
0x89: {  	s3 =	sld [smem:$0x3FFE];
	_ =	sdelay $0x1  }
0x8a: {  	s1 =	srdreg.scid  }
0x8b: {  	s0 =	sand.u32 $0x1, s1  }
0x8c: {  	s17 =	sshll.u32 s0, $0xA;
	s2 =	sadd.s32 s3, s2  }
0x8d: {  	s2 =	sadd.s32 s2, s17  }
0x8e: {  	[smem:$0x3FB9] =	sst s2  }
0x8f: {  	_ = 	snop  }
0x90: {  	s2 =	sld [smem:$0x3FD0];
	(tm) =	ssettm $0x1  }
0x91: {  	s18 =	sld [smem:$0x3FFB];
	_ =	sdelay $0x3  }
0x92: {  	_ =	strace s18  }
0x93: {  	s3 =	sld [smem:$0x3FFC];
	_ =	sdelay $0x3  }
0x94: {  	_ =	strace s3  }
0x95: {  	s3 =	sld [smem:$0x3FFD];
	_ =	sdelay $0x3  }
0x96: {  	_ =	strace s3  }
0x97: {  	_ =	strace $0x8FFFFFFF  }
0x98: {  	s19 =	sld [smem:$0x3FDB];
	_ =	sdelay $0x1  }
0x99: {  	s4 =	simm.s32 $_scs_section_size  }
0x9a: {  	s5 =	simm.s32 $_size__tile_overlayer_lowered;
	s6 =	simm.s32 $_tile_overlayer_lowered  }
0x9b: {  	s22 =	simm.s32 $0x1BFF;
	s21 =	sshll.u32 s6, $0x1;
	s3 =	sadd.s32 s4, s19  }
0x9c: {  	s7 =	simm.s32 $0x0;
	s20 =	sshll.u32 s5, $0x1;
	s5 =	sadd.s32 s21, s3  }
0x9d: {  	[timem:s7], [sflag:s22] =	dma.local [hbm:s5], s20  }
0x9e: {  	_ =	swait.ge [sflag:s22], s20  }
0x9f: {  	s4 =	ssub.s32 $0x0, s20;
	[sflag:s22] =	ssyncset.done $0x0  }
0xa0: {  	[sflag:s22] =	ssyncadd.s32 s4;
	_ =	sdelay $0x1  }
0xa1: {  	s23 =	simm.s32 $0x1B8B  }
0xa2: {  	_ =	swait.ge [sflag:s23], $0x1  }
0xa3: {  	[sflag:s23] =	ssyncset.done $0x0  }
0xa4: {  	s25 =	simm.s32 $0x1B8E;
	s24 =	sld [smem:$0x3FFE];
	[sflag:s23] =	ssyncadd.s32 $0xFFFFFFFF  }
0xa5: {  	s26 =	simm.s32 $execute0_lowered;
	[smem:$0x3FD2] =	sst s25  }
0xa6: {  	s5 =	sshll.u32 s26, $0x1;
	_ =	strace $0x80000046;
	[dreg:$0x1] =	wrdreg $0xFFFFFFFF  }
0xa7: {  	s28 =	simm.s32 $_size_execute0_lowered;
	s3 =	sadd.s32 s3, s5;
	[dreg:$0x0] =	wrdreg $0x0  }
0xa8: {  	s5 =	sshll.u32 s28, $0x1;
	[dreg:$0x2] =	wrdreg s3  }
0xa9: {  	[dreg:$0x3] =	wrdreg s5  }
0xaa: {  	[dreg:$0x4] =	wrdreg $0xC0  }
0xab: {  	_ =	task [dreg:s7], $0x5FFFF  }
0xac: {  	[dreg:$0x1] =	wrdreg $0xFFFFFFFF  }
0xad: {  	[dreg:$0x0] =	wrdreg $0x60  }
0xae: {  	[dreg:$0x2] =	wrdreg s24  }
0xaf: {  	[dreg:$0x3] =	wrdreg s2  }
0xb0: {  	[dreg:$0x4] =	wrdreg $0x9  }
0xb1: {  	_ =	task.clear_ibuf [dreg:s7], $0x5FFFF;
	_ =	strace $0x90000046  }
0xb2: {  	s29 =	simm.s32 $0x9;
	_ =	strace $0x80000048  }
0xb3: {  	_ =	swait.ge [sflag:s29], $0x1  }
0xb4: {  	[sflag:s29] =	ssyncadd.s32 $0xFFFFFFFF  }
0xb5: {  	_ =	strace $0x90000048  }
0xb6: {  	_ =	sfence  }
0xb7: {  	s30 =	sld [smem:$0x0];
	_ =	sdelay $0x2  }
0xb8: {  	s31 =	sshll.u32 s1, $0xD;
	s1 =	sshrl.u32 s1, $0x2  }
0xb9: {  	s3 =	sand.u32 $0x4000, s31;
	s1 =	sadd.s32 s1, s30  }
0xba: {  	s0 =	sor.u32 s3, s0;
	s1 =	sshll.u32 s1, $0x11  }
0xbb: {  	s0 =	sor.u32 s1, s0  }
0xbc: {  	s0 =	sadd.s32 $0x8F2B, s0  }
0xbd: {  	[sflag:s0] =	ssyncadd.remote.s32 $0x1  }
0xbe: {  	_ =	sfence.sel $0xFFFF  }
0xbf: {  	[dreg:$0x0] =	wrdreg $0xFFFFFFFF;
	(pc) =	sbr.abs _section_cstart, $3  }
0xc0: {  	[dreg:$0x1] =	wrdreg $0xFFFFFFFF  }
0xc1: {  	_ =	task.clear_ibuf [dreg:s7], $0x2FFFF;
	_ =	strace $0x9FFFFFFF  }
0xc2: {  	(tm) =	ssettm $0x7FFFFFFF  }
0xc3: {  	_ =	shalt  }
tec
execute0_lowered:
.L_overlay_start_1:
0x0: {  	(tag) =	ssettag $0x1  }
0x1: {  	s1 =	srdreg.scid  }
0x2: {  	s14 =	rddreg [dreg:$0x0];
	s0 =	stileid.u32;
	s26 =	sand.u32 $0x1, s1  }
0x3: {  	s24 =	rddreg [dreg:$0x1];
	s3 =	sshll.u32 s0, $0xA;
	s4 =	sshll.u32 s26, $0x9  }
0x4: {  	s2 =	simm.s32 $0x0;
	s1 =	rddreg [dreg:$0x2];
	s25 =	sor.u32 s4, s3  }
0x5: {  	[smem:$0x7FF] =	sst s2;
	s23 =	sadd.s32 $0x2600, s14;
	s5 =	sshrl.u32 s25, $0x3  }
0x6: {  	_ =	strace $0x80000047;
	s3 =	simm.s32 $0x3;
	s4 =	sadd.s32 s23, s5  }
0x7: {  	[tilespmem:s2], [sflag:$0x3] =	stream.linear.gather [hbm4b:s4+s2], $0x80, $0x38;
	[tilespmem:$0x8100] =	vst v63  }
0x8: {  	_ =	swait.ge [sflag:s3], $0x80  }
0x9: {  	[sflag:s3] =	ssyncset.done $0x0  }
0xa: {  	s6 =	simm.s32 $0x80;
	s5 =	sadd.s32 s24, s5;
	[sflag:s3] =	ssyncadd.s32 $0xFFFFFF80  }
0xb: {  	[tilespmem:s6], [sflag:$0x3] =	stream.linear.gather [hbm4b:s5+s2], $0x80, $0x38;
	[tilespmem:$0x8100] =	vst v63  }
0xc: {  	_ =	swait.ge [sflag:s3], $0x80  }
0xd: {  	[sflag:s3] =	ssyncset.done $0x0  }
0xe: {  	s8 =	simm.s32 $0x100;
	s7 =	sadd.s32 $0x2E00, s14;
	[sflag:s3] =	ssyncadd.s32 $0xFFFFFF80  }
0xf: {  	[tilespmem:s8], [sflag:$0x1] =	stream.indirect.gather [hbm4b:s7+s6], $0x80, s2, s6, $0xb8;
	[tilespmem:$0x8100] =	vst v63  }
0x10: {  	s10 =	simm.s32 $0x4100;
	s11 =	simm.s32 $0x1;
	s9 =	sadd.s32 $0x7C2E00, s14  }
0x11: {  	[tilespmem:s10], [sflag:$0x2] =	stream.indirect.gather [hbm4b:s9+s6], $0x80, s6, s6, $0xb8;
	[tilespmem:$0x8100] =	vst v63  }
0x12: {  	_ =	swait.ge [sflag:s11], $0x4000  }
0x13: {  	s28 =	sadd.s32 $0x8A2E00, s14;
	s15 =	sshll.u32 s25, $0x4;
	[sflag:s11] =	ssyncset.done $0x0  }
0x14: {  	s12 =	sadd.s32 s28, s15;
	[sflag:s11] =	ssyncadd.s32 $0xFFFFC000  }
0x15: {  	[hbm4b:s12+s2] =	stream.linear.scatter [tilespmem:s8], [sflag:$0x3], $0x4000, $0x38;
	[tilespmem:$0x8100] =	vst v63  }
0x16: {  	_ =	swait.ge [sflag:s3], $0x4000  }
0x17: {  	[sflag:s3] =	ssyncset.done $0x0  }
0x18: {  	s13 =	simm.s32 $0x2;
	[sflag:s3] =	ssyncadd.s32 $0xFFFFC000  }
0x19: {  	_ =	swait.ge [sflag:s13], $0x4000  }
0x1a: {  	s29 =	sadd.s32 $0x8E2E00, s14;
	[sflag:s13] =	ssyncset.done $0x0  }
0x1b: {  	s14 =	sadd.s32 s29, s15;
	[sflag:s13] =	ssyncadd.s32 $0xFFFFC000  }
0x1c: {  	[hbm4b:s14+s2] =	stream.linear.scatter [tilespmem:s10], [sflag:$0x3], $0x4000, $0x38;
	[tilespmem:$0x8100] =	vst v63  }
0x1d: {  	s17 =	sor.u32 $0x80, s25;
	_ =	swait.ge [sflag:s3], $0x4000  }
0x1e: {  	s16 =	sshrl.u32 s17, $0x3;
	[sflag:s3] =	ssyncset.done $0x0  }
0x1f: {  	s15 =	sadd.s32 s23, s16;
	[sflag:s3] =	ssyncadd.s32 $0xFFFFC000  }
0x20: {  	[tilespmem:s2], [sflag:$0x3] =	stream.linear.gather [hbm4b:s15+s2], $0x80, $0x38;
	[tilespmem:$0x8100] =	vst v63  }
0x21: {  	_ =	swait.ge [sflag:s3], $0x80  }
0x22: {  	[sflag:s3] =	ssyncset.done $0x0  }
0x23: {  	s16 =	sadd.s32 s24, s16;
	[sflag:s3] =	ssyncadd.s32 $0xFFFFFF80  }
0x24: {  	[tilespmem:s6], [sflag:$0x3] =	stream.linear.gather [hbm4b:s16+s2], $0x80, $0x38;
	[tilespmem:$0x8100] =	vst v63  }
0x25: {  	_ =	swait.ge [sflag:s3], $0x80  }
0x26: {  	[sflag:s3] =	ssyncset.done $0x0  }
0x27: {  	[sflag:s3] =	ssyncadd.s32 $0xFFFFFF80  }
0x28: {  	[tilespmem:s8], [sflag:$0x1] =	stream.indirect.gather [hbm4b:s7+s6], $0x80, s2, s6, $0xb8;
	[tilespmem:$0x8100] =	vst v63  }
0x29: {  	_ = 	snop  }
0x2a: {  	[tilespmem:s10], [sflag:$0x2] =	stream.indirect.gather [hbm4b:s9+s6], $0x80, s6, s6, $0xb8;
	[tilespmem:$0x8100] =	vst v63  }
0x2b: {  	_ =	swait.ge [sflag:s11], $0x4000  }
0x2c: {  	s18 =	sshll.u32 s17, $0x4;
	[sflag:s11] =	ssyncset.done $0x0  }
0x2d: {  	s17 =	sadd.s32 s28, s18;
	[sflag:s11] =	ssyncadd.s32 $0xFFFFC000  }
0x2e: {  	[hbm4b:s17+s2] =	stream.linear.scatter [tilespmem:s8], [sflag:$0x3], $0x4000, $0x38;
	[tilespmem:$0x8100] =	vst v63  }
0x2f: {  	_ =	swait.ge [sflag:s3], $0x4000  }
0x30: {  	[sflag:s3] =	ssyncset.done $0x0  }
0x31: {  	[sflag:s3] =	ssyncadd.s32 $0xFFFFC000  }
0x32: {  	_ =	swait.ge [sflag:s13], $0x4000  }
0x33: {  	[sflag:s13] =	ssyncset.done $0x0  }
0x34: {  	s18 =	sadd.s32 s29, s18;
	[sflag:s13] =	ssyncadd.s32 $0xFFFFC000  }
0x35: {  	[hbm4b:s18+s2] =	stream.linear.scatter [tilespmem:s10], [sflag:$0x3], $0x4000, $0x38;
	[tilespmem:$0x8100] =	vst v63  }
0x36: {  	s21 =	sor.u32 $0x100, s25;
	_ =	swait.ge [sflag:s3], $0x4000  }
0x37: {  	s20 =	sshrl.u32 s21, $0x3;
	[sflag:s3] =	ssyncset.done $0x0  }
0x38: {  	s19 =	sadd.s32 s23, s20;
	[sflag:s3] =	ssyncadd.s32 $0xFFFFC000  }
0x39: {  	[tilespmem:s2], [sflag:$0x3] =	stream.linear.gather [hbm4b:s19+s2], $0x80, $0x38;
	[tilespmem:$0x8100] =	vst v63  }
0x3a: {  	_ =	swait.ge [sflag:s3], $0x80  }
0x3b: {  	[sflag:s3] =	ssyncset.done $0x0  }
0x3c: {  	s20 =	sadd.s32 s24, s20;
	[sflag:s3] =	ssyncadd.s32 $0xFFFFFF80  }
0x3d: {  	[tilespmem:s6], [sflag:$0x3] =	stream.linear.gather [hbm4b:s20+s2], $0x80, $0x38;
	[tilespmem:$0x8100] =	vst v63  }
0x3e: {  	_ =	swait.ge [sflag:s3], $0x80  }
0x3f: {  	[sflag:s3] =	ssyncset.done $0x0  }
0x40: {  	[sflag:s3] =	ssyncadd.s32 $0xFFFFFF80  }
0x41: {  	[tilespmem:s8], [sflag:$0x1] =	stream.indirect.gather [hbm4b:s7+s6], $0x80, s2, s6, $0xb8;
	[tilespmem:$0x8100] =	vst v63  }
0x42: {  	_ = 	snop  }
0x43: {  	[tilespmem:s10], [sflag:$0x2] =	stream.indirect.gather [hbm4b:s9+s6], $0x80, s6, s6, $0xb8;
	[tilespmem:$0x8100] =	vst v63  }
0x44: {  	_ =	swait.ge [sflag:s11], $0x4000  }
0x45: {  	s22 =	sshll.u32 s21, $0x4;
	[sflag:s11] =	ssyncset.done $0x0  }
0x46: {  	s21 =	sadd.s32 s28, s22;
	[sflag:s11] =	ssyncadd.s32 $0xFFFFC000  }
0x47: {  	[hbm4b:s21+s2] =	stream.linear.scatter [tilespmem:s8], [sflag:$0x3], $0x4000, $0x38;
	[tilespmem:$0x8100] =	vst v63  }
0x48: {  	_ =	swait.ge [sflag:s3], $0x4000  }
0x49: {  	[sflag:s3] =	ssyncset.done $0x0  }
0x4a: {  	[sflag:s3] =	ssyncadd.s32 $0xFFFFC000  }
0x4b: {  	_ =	swait.ge [sflag:s13], $0x4000  }
0x4c: {  	[sflag:s13] =	ssyncset.done $0x0  }
0x4d: {  	s22 =	sadd.s32 s29, s22;
	[sflag:s13] =	ssyncadd.s32 $0xFFFFC000  }
0x4e: {  	[hbm4b:s22+s2] =	stream.linear.scatter [tilespmem:s10], [sflag:$0x3], $0x4000, $0x38;
	[tilespmem:$0x8100] =	vst v63  }
0x4f: {  	s25 =	sor.u32 $0x180, s25;
	_ =	swait.ge [sflag:s3], $0x4000  }
0x50: {  	s30 =	sshrl.u32 s25, $0x3;
	[sflag:s3] =	ssyncset.done $0x0  }
0x51: {  	s23 =	sadd.s32 s23, s30;
	[sflag:s3] =	ssyncadd.s32 $0xFFFFC000  }
0x52: {  	[tilespmem:s2], [sflag:$0x3] =	stream.linear.gather [hbm4b:s23+s2], $0x80, $0x38;
	[tilespmem:$0x8100] =	vst v63  }
0x53: {  	_ =	swait.ge [sflag:s3], $0x80  }
0x54: {  	[sflag:s3] =	ssyncset.done $0x0  }
0x55: {  	s24 =	sadd.s32 s24, s30;
	[sflag:s3] =	ssyncadd.s32 $0xFFFFFF80  }
0x56: {  	[tilespmem:s6], [sflag:$0x3] =	stream.linear.gather [hbm4b:s24+s2], $0x80, $0x38;
	[tilespmem:$0x8100] =	vst v63  }
0x57: {  	_ =	swait.ge [sflag:s3], $0x80  }
0x58: {  	[sflag:s3] =	ssyncset.done $0x0  }
0x59: {  	[sflag:s3] =	ssyncadd.s32 $0xFFFFFF80  }
0x5a: {  	[tilespmem:s8], [sflag:$0x1] =	stream.indirect.gather [hbm4b:s7+s6], $0x80, s2, s6, $0xb8;
	[tilespmem:$0x8100] =	vst v63  }
0x5b: {  	_ = 	snop  }
0x5c: {  	[tilespmem:s10], [sflag:$0x2] =	stream.indirect.gather [hbm4b:s9+s6], $0x80, s6, s6, $0xb8;
	[tilespmem:$0x8100] =	vst v63  }
0x5d: {  	_ =	swait.ge [sflag:s11], $0x4000  }
0x5e: {  	s31 =	sshll.u32 s25, $0x4;
	[sflag:s11] =	ssyncset.done $0x0  }
0x5f: {  	s26 =	ssub.s32 $0x2, s26;
	s25 =	sadd.s32 s28, s31;
	[sflag:s11] =	ssyncadd.s32 $0xFFFFC000  }
0x60: {  	[hbm4b:s25+s2] =	stream.linear.scatter [tilespmem:s8], [sflag:$0x3], $0x4000, $0x38;
	[tilespmem:$0x8100] =	vst v63  }
0x61: {  	s28 =	sshrl.u32 s26, $0x1;
	_ =	swait.ge [sflag:s3], $0x4000  }
0x62: {  	s28 =	ssub.s32 s26, s28;
	[sflag:s3] =	ssyncset.done $0x0  }
0x63: {  	s28 =	smax.u32 s28, $0x1;
	[sflag:s3] =	ssyncadd.s32 $0xFFFFC000  }
0x64: {  	p0 =	sne.s32 s28, $0x1;
	_ =	swait.ge [sflag:s13], $0x4000  }
.Ltmp0:
0x65: {  	[sflag:s13] =	ssyncset.done $0x0;
	(pc) =	sbr.rel @!p0 .LBB2_2-.Ltmp0, $4  }
0x66: {  	s26 =	sadd.s32 s29, s31;
	[sflag:s13] =	ssyncadd.s32 $0xFFFFC000  }
0x67: {  	[hbm4b:s26+s2] =	stream.linear.scatter [tilespmem:s10], [sflag:$0x3], $0x4000, $0x38;
	[tilespmem:$0x8100] =	vst v63  }
0x68: {  	_ =	swait.ge [sflag:s3], $0x4000  }
0x69: {  	s28 =	sadd.s32 $0xFFFFFFFF, s28;
	[sflag:s3] =	ssyncset.done $0x0  }
.LBB2_1:
0x6a: {  	p0 =	sne.s32 s28, $0x1;
	s28 =	sadd.s32 $0xFFFFFFFF, s28;
	[sflag:s3] =	ssyncadd.s32 $0xFFFFC000  }
0x6b: {  	[tilespmem:s2], [sflag:$0x3] =	stream.linear.gather [hbm4b:s4+s2], $0x80, $0x38;
	[tilespmem:$0x8100] =	vst v63  }
0x6c: {  	_ =	swait.ge [sflag:s3], $0x80  }
0x6d: {  	[sflag:s3] =	ssyncset.done $0x0  }
0x6e: {  	[sflag:s3] =	ssyncadd.s32 $0xFFFFFF80  }
0x6f: {  	[tilespmem:s6], [sflag:$0x3] =	stream.linear.gather [hbm4b:s5+s2], $0x80, $0x38;
	[tilespmem:$0x8100] =	vst v63  }
0x70: {  	_ =	swait.ge [sflag:s3], $0x80  }
0x71: {  	[sflag:s3] =	ssyncset.done $0x0  }
0x72: {  	[sflag:s3] =	ssyncadd.s32 $0xFFFFFF80  }
0x73: {  	[tilespmem:s8], [sflag:$0x1] =	stream.indirect.gather [hbm4b:s7+s6], $0x80, s2, s6, $0xb8;
	[tilespmem:$0x8100] =	vst v63  }
0x74: {  	_ = 	snop  }
0x75: {  	[tilespmem:s10], [sflag:$0x2] =	stream.indirect.gather [hbm4b:s9+s6], $0x80, s6, s6, $0xb8;
	[tilespmem:$0x8100] =	vst v63  }
0x76: {  	_ =	swait.ge [sflag:s11], $0x4000  }
0x77: {  	[sflag:s11] =	ssyncset.done $0x0  }
0x78: {  	[sflag:s11] =	ssyncadd.s32 $0xFFFFC000  }
0x79: {  	[hbm4b:s12+s2] =	stream.linear.scatter [tilespmem:s8], [sflag:$0x3], $0x4000, $0x38;
	[tilespmem:$0x8100] =	vst v63  }
0x7a: {  	_ =	swait.ge [sflag:s3], $0x4000  }
0x7b: {  	[sflag:s3] =	ssyncset.done $0x0  }
0x7c: {  	[sflag:s3] =	ssyncadd.s32 $0xFFFFC000  }
0x7d: {  	_ =	swait.ge [sflag:s13], $0x4000  }
0x7e: {  	[sflag:s13] =	ssyncset.done $0x0  }
0x7f: {  	[sflag:s13] =	ssyncadd.s32 $0xFFFFC000  }
0x80: {  	[hbm4b:s14+s2] =	stream.linear.scatter [tilespmem:s10], [sflag:$0x3], $0x4000, $0x38;
	[tilespmem:$0x8100] =	vst v63  }
0x81: {  	_ =	swait.ge [sflag:s3], $0x4000  }
0x82: {  	[sflag:s3] =	ssyncset.done $0x0  }
0x83: {  	[sflag:s3] =	ssyncadd.s32 $0xFFFFC000  }
0x84: {  	[tilespmem:s2], [sflag:$0x3] =	stream.linear.gather [hbm4b:s15+s2], $0x80, $0x38;
	[tilespmem:$0x8100] =	vst v63  }
0x85: {  	_ =	swait.ge [sflag:s3], $0x80  }
0x86: {  	[sflag:s3] =	ssyncset.done $0x0  }
0x87: {  	[sflag:s3] =	ssyncadd.s32 $0xFFFFFF80  }
0x88: {  	[tilespmem:s6], [sflag:$0x3] =	stream.linear.gather [hbm4b:s16+s2], $0x80, $0x38;
	[tilespmem:$0x8100] =	vst v63  }
0x89: {  	_ =	swait.ge [sflag:s3], $0x80  }
0x8a: {  	[sflag:s3] =	ssyncset.done $0x0  }
0x8b: {  	[sflag:s3] =	ssyncadd.s32 $0xFFFFFF80  }
0x8c: {  	[tilespmem:s8], [sflag:$0x1] =	stream.indirect.gather [hbm4b:s7+s6], $0x80, s2, s6, $0xb8;
	[tilespmem:$0x8100] =	vst v63  }
0x8d: {  	_ = 	snop  }
0x8e: {  	[tilespmem:s10], [sflag:$0x2] =	stream.indirect.gather [hbm4b:s9+s6], $0x80, s6, s6, $0xb8;
	[tilespmem:$0x8100] =	vst v63  }
0x8f: {  	_ =	swait.ge [sflag:s11], $0x4000  }
0x90: {  	[sflag:s11] =	ssyncset.done $0x0  }
0x91: {  	[sflag:s11] =	ssyncadd.s32 $0xFFFFC000  }
0x92: {  	[hbm4b:s17+s2] =	stream.linear.scatter [tilespmem:s8], [sflag:$0x3], $0x4000, $0x38;
	[tilespmem:$0x8100] =	vst v63  }
0x93: {  	_ =	swait.ge [sflag:s3], $0x4000  }
0x94: {  	[sflag:s3] =	ssyncset.done $0x0  }
0x95: {  	[sflag:s3] =	ssyncadd.s32 $0xFFFFC000  }
0x96: {  	_ =	swait.ge [sflag:s13], $0x4000  }
0x97: {  	[sflag:s13] =	ssyncset.done $0x0  }
0x98: {  	[sflag:s13] =	ssyncadd.s32 $0xFFFFC000  }
0x99: {  	[hbm4b:s18+s2] =	stream.linear.scatter [tilespmem:s10], [sflag:$0x3], $0x4000, $0x38;
	[tilespmem:$0x8100] =	vst v63  }
0x9a: {  	_ =	swait.ge [sflag:s3], $0x4000  }
0x9b: {  	[sflag:s3] =	ssyncset.done $0x0  }
0x9c: {  	[sflag:s3] =	ssyncadd.s32 $0xFFFFC000  }
0x9d: {  	[tilespmem:s2], [sflag:$0x3] =	stream.linear.gather [hbm4b:s19+s2], $0x80, $0x38;
	[tilespmem:$0x8100] =	vst v63  }
0x9e: {  	_ =	swait.ge [sflag:s3], $0x80  }
0x9f: {  	[sflag:s3] =	ssyncset.done $0x0  }
0xa0: {  	[sflag:s3] =	ssyncadd.s32 $0xFFFFFF80  }
0xa1: {  	[tilespmem:s6], [sflag:$0x3] =	stream.linear.gather [hbm4b:s20+s2], $0x80, $0x38;
	[tilespmem:$0x8100] =	vst v63  }
0xa2: {  	_ =	swait.ge [sflag:s3], $0x80  }
0xa3: {  	[sflag:s3] =	ssyncset.done $0x0  }
0xa4: {  	[sflag:s3] =	ssyncadd.s32 $0xFFFFFF80  }
0xa5: {  	[tilespmem:s8], [sflag:$0x1] =	stream.indirect.gather [hbm4b:s7+s6], $0x80, s2, s6, $0xb8;
	[tilespmem:$0x8100] =	vst v63  }
0xa6: {  	_ = 	snop  }
0xa7: {  	[tilespmem:s10], [sflag:$0x2] =	stream.indirect.gather [hbm4b:s9+s6], $0x80, s6, s6, $0xb8;
	[tilespmem:$0x8100] =	vst v63  }
0xa8: {  	_ =	swait.ge [sflag:s11], $0x4000  }
0xa9: {  	[sflag:s11] =	ssyncset.done $0x0  }
0xaa: {  	[sflag:s11] =	ssyncadd.s32 $0xFFFFC000  }
0xab: {  	[hbm4b:s21+s2] =	stream.linear.scatter [tilespmem:s8], [sflag:$0x3], $0x4000, $0x38;
	[tilespmem:$0x8100] =	vst v63  }
0xac: {  	_ =	swait.ge [sflag:s3], $0x4000  }
0xad: {  	[sflag:s3] =	ssyncset.done $0x0  }
0xae: {  	[sflag:s3] =	ssyncadd.s32 $0xFFFFC000  }
0xaf: {  	_ =	swait.ge [sflag:s13], $0x4000  }
0xb0: {  	[sflag:s13] =	ssyncset.done $0x0  }
0xb1: {  	[sflag:s13] =	ssyncadd.s32 $0xFFFFC000  }
0xb2: {  	[hbm4b:s22+s2] =	stream.linear.scatter [tilespmem:s10], [sflag:$0x3], $0x4000, $0x38;
	[tilespmem:$0x8100] =	vst v63  }
0xb3: {  	_ =	swait.ge [sflag:s3], $0x4000  }
0xb4: {  	[sflag:s3] =	ssyncset.done $0x0  }
0xb5: {  	[sflag:s3] =	ssyncadd.s32 $0xFFFFC000  }
0xb6: {  	[tilespmem:s2], [sflag:$0x3] =	stream.linear.gather [hbm4b:s23+s2], $0x80, $0x38;
	[tilespmem:$0x8100] =	vst v63  }
0xb7: {  	_ =	swait.ge [sflag:s3], $0x80  }
0xb8: {  	[sflag:s3] =	ssyncset.done $0x0  }
0xb9: {  	[sflag:s3] =	ssyncadd.s32 $0xFFFFFF80  }
0xba: {  	[tilespmem:s6], [sflag:$0x3] =	stream.linear.gather [hbm4b:s24+s2], $0x80, $0x38;
	[tilespmem:$0x8100] =	vst v63  }
0xbb: {  	_ =	swait.ge [sflag:s3], $0x80  }
0xbc: {  	[sflag:s3] =	ssyncset.done $0x0  }
0xbd: {  	[sflag:s3] =	ssyncadd.s32 $0xFFFFFF80  }
0xbe: {  	[tilespmem:s8], [sflag:$0x1] =	stream.indirect.gather [hbm4b:s7+s6], $0x80, s2, s6, $0xb8;
	[tilespmem:$0x8100] =	vst v63  }
0xbf: {  	_ = 	snop  }
0xc0: {  	[tilespmem:s10], [sflag:$0x2] =	stream.indirect.gather [hbm4b:s9+s6], $0x80, s6, s6, $0xb8;
	[tilespmem:$0x8100] =	vst v63  }
0xc1: {  	_ =	swait.ge [sflag:s11], $0x4000  }
0xc2: {  	[sflag:s11] =	ssyncset.done $0x0  }
0xc3: {  	[sflag:s11] =	ssyncadd.s32 $0xFFFFC000  }
0xc4: {  	[hbm4b:s25+s2] =	stream.linear.scatter [tilespmem:s8], [sflag:$0x3], $0x4000, $0x38;
	[tilespmem:$0x8100] =	vst v63  }
0xc5: {  	_ =	swait.ge [sflag:s3], $0x4000  }
0xc6: {  	[sflag:s3] =	ssyncset.done $0x0  }
0xc7: {  	[sflag:s3] =	ssyncadd.s32 $0xFFFFC000  }
0xc8: {  	_ =	swait.ge [sflag:s13], $0x4000  }
.Ltmp1:
0xc9: {  	[sflag:s13] =	ssyncset.done $0x0;
	(pc) =	sbr.rel @p0 .LBB2_1-.Ltmp1, $4  }
0xca: {  	[sflag:s13] =	ssyncadd.s32 $0xFFFFC000  }
0xcb: {  	[hbm4b:s26+s2] =	stream.linear.scatter [tilespmem:s10], [sflag:$0x3], $0x4000, $0x38;
	[tilespmem:$0x8100] =	vst v63  }
0xcc: {  	_ =	swait.ge [sflag:s3], $0x4000  }
0xcd: {  	[sflag:s3] =	ssyncset.done $0x0  }
.LBB2_2:
0xce: {  	[sflag:s3] =	ssyncadd.s32 $0xFFFFC000  }
0xcf: {  	_ =	sfence.sel $0x180000  }
0xd0: {  	[bflag:$0x0] =	sbarrier.arrive $0xFFFF  }
0xd1: {  	p0 =	sne.s32 s0, $0x0;
	_ =	strace $0x90000047  }
0xd2: {  	s0 =	sadd.s32 @!p0 $0x100000, s1;
	[bflag:$0x2] =	sbarrier.arrive $0xFFFF  }
0xd3: {  	[sflag:s0] =	ssyncadd.tile.s32 @!p0 $0x1;
	_ =	shalt  }
.Lfunc_end2:
_tile_overlayer_lowered:
.L_overlay_start_2:
0xd4: {  	(tag) =	ssettag $0x2  }
0xd5: {  	s0 =	rddreg [dreg:$0x0];
	s2 =	stileid.u32  }
0xd6: {  	s1 =	rddreg [dreg:$0x1];
	p0 =	sne.s32 s2, $0x0  }
0xd7: {  	s3 =	rddreg [dreg:$0x2];
	[bflag:$0x3] =	sbarrier.arrive $0xFFFF;
	s2 =	simm.s32 @!p0 $0x1C03  }
0xd8: {  	[timem:s3], [sflag:s2] =	dma.local @!p0 [hbm:s0], s1  }
0xd9: {  	s0 =	simm.s32 @!p0 $0x3  }
0xda: {  	_ =	swait.ge @!p0 [sflag:s0], s1  }
0xdb: {  	s1 =	ssub.s32 @!p0 $0x0, s1;
	[sflag:s0] =	ssyncset.done @!p0 $0x0  }
0xdc: {  	[sflag:s0] =	ssyncadd.s32 @!p0 s1  }
0xdd: {  	[bflag:$0x3] =	sbarrier.arrive $0xFFFF  }
0xde: {  	_ =	shalt  }

</sc_bundles>
